<compile_context>
chip_gen: v7x
topology: tpu7x:2x2x1
jax: 0.10.2.dev20260603
libtpu: 0.0.44.dev20260713+nightly
codegen_flags: <defaults>
</compile_context>

<pallas_src>
import dataclasses
import functools

import jax
import jax.numpy as jnp
from jax import lax
from jax.experimental import pallas as pl
from jax.experimental.pallas import tpu as pltpu
from jax.experimental.pallas import tpu_sc as plsc

N = 10000
NP = 10240
E = 320000
F = 128

NC = 2
NS = 16
NW = NC * NS
EPT = E // NW
CH = 80
NCH = EPT // CH
EPT2 = 10240
RPT = NP // NS
NGRP = NCH // 4

_mesh = plsc.VectorSubcoreMesh(core_axis_name="c", subcore_axis_name="s")

_cp = pltpu.CompilerParams()
if "needs_layout_passes" in pltpu.CompilerParams.__dataclass_fields__:
    _cp = dataclasses.replace(_cp, needs_layout_passes=False)



@functools.partial(
    pl.kernel,
    out_type=jax.ShapeDtypeStruct((NW * NP,), jnp.float32),
    mesh=_mesh,
    compiler_params=_cp,
    scratch_types=[
        pltpu.VMEM((EPT2,), jnp.int32),
        pltpu.VMEM((NP,), jnp.float32),
    ],
)
def _deg_sc(dst_hbm, out_hbm, idx_v, hist_v):
    c = lax.axis_index("c")
    s = lax.axis_index("s")
    wid = c * NS + s
    pltpu.sync_copy(dst_hbm.at[wid], idx_v)

    @pl.loop(0, NP, step=16)
    def _(i):
        hist_v[pl.ds(i, 16)] = jnp.zeros((16,), jnp.float32)

    ones = jnp.ones((16,), jnp.float32)

    @pl.loop(0, EPT2, step=16)
    def _(j):
        plsc.addupdate_scatter(hist_v, [idx_v[pl.ds(j, 16)]], ones)

    pltpu.sync_copy(hist_v, out_hbm.at[pl.ds(wid * NP, NP)])


@functools.partial(
    pl.kernel,
    out_type=jax.ShapeDtypeStruct((NC * NP, F), jnp.float32),
    mesh=_mesh,
    scratch_types=[
        pltpu.VMEM((2, CH), jnp.int32),
        pltpu.VMEM((CH, F), jnp.float32),
        pltpu.VMEM_SHARED((NP, F), jnp.float32),
    ],
)
def _agg_sc(h_hbm, eidx_hbm, out_hbm, eidx_v, rows_v, acc_sh):
    c = lax.axis_index("c")
    s = lax.axis_index("s")
    wid = c * NS + s
    rbase = s * RPT
    pltpu.sync_copy(h_hbm.at[pl.ds(rbase, RPT)], acc_sh.at[pl.ds(rbase, RPT)])
    plsc.subcore_barrier()
    cbase = wid * NCH

    @pl.loop(0, NCH)
    def _(k):
        pltpu.sync_copy(eidx_hbm.at[k + cbase], eidx_v)
        pltpu.sync_copy(h_hbm.at[eidx_v.at[0]], rows_v)
        pltpu.sync_copy(rows_v, acc_sh.at[eidx_v.at[1]],
                        add=True)

    plsc.subcore_barrier()
    pltpu.sync_copy(acc_sh.at[pl.ds(rbase, RPT)],
                    out_hbm.at[pl.ds(c * NP + rbase, RPT)])



def _dis_body(h_ref, out_ref):
    ones = jnp.ones((NW, 1), jnp.float32)
    deg = lax.dot_general(h_ref[...], ones, (((0,), (0,)), ((), ())),
                          precision=lax.Precision.HIGHEST,
                          preferred_element_type=jnp.float32) + 1.0
    out_ref[...] = jnp.broadcast_to(lax.rsqrt(deg), out_ref.shape)


_dis_tc = pl.pallas_call(
    _dis_body,
    grid=(NP // 128,),
    in_specs=[pl.BlockSpec((NW, 128), lambda i: (0, i))],
    out_specs=pl.BlockSpec((128, 128), lambda i: (i, 0)),
    out_shape=jax.ShapeDtypeStruct((NP, 128), jnp.float32),
)

BM = 512


def _mm_body(x_ref, w_ref, d_ref, out_ref):
    h = jnp.dot(x_ref[...], w_ref[...], preferred_element_type=jnp.float32,
                precision=lax.Precision.HIGHEST)
    out_ref[...] = h * d_ref[...]


_mm_tc = pl.pallas_call(
    _mm_body,
    grid=(NP // BM,),
    in_specs=[pl.BlockSpec((BM, F), lambda i: (i, 0)),
              pl.BlockSpec((F, F), lambda i: (0, 0)),
              pl.BlockSpec((BM, F), lambda i: (i, 0))],
    out_specs=pl.BlockSpec((BM, F), lambda i: (i, 0)),
    out_shape=jax.ShapeDtypeStruct((NP, F), jnp.float32),
)


def _fin_body(a0_ref, a1_ref, hp_ref, d_ref, b_ref, out_ref, *, relu):
    v = (a0_ref[...] + a1_ref[...] - hp_ref[...]) * d_ref[...] + b_ref[...]
    out_ref[...] = jnp.maximum(v, 0.0) if relu else v


def _make_fin(relu):
    return pl.pallas_call(
        functools.partial(_fin_body, relu=relu),
        grid=(NP // BM,),
        in_specs=[pl.BlockSpec((BM, F), lambda i: (i, 0)),
                  pl.BlockSpec((BM, F), lambda i: (i + NP // BM, 0)),
                  pl.BlockSpec((BM, F), lambda i: (i, 0)),
                  pl.BlockSpec((BM, F), lambda i: (i, 0)),
                  pl.BlockSpec((1, F), lambda i: (0, 0))],
        out_specs=pl.BlockSpec((BM, F), lambda i: (i, 0)),
        out_shape=jax.ShapeDtypeStruct((NP, F), jnp.float32),
    )


_fin_relu_tc = _make_fin(True)
_fin_tc = _make_fin(False)


def kernel(x, edge_index, W1, b1, W2, b2):
    src = edge_index[0].astype(jnp.int32).reshape(NW, EPT)
    dst = edge_index[1].astype(jnp.int32).reshape(NW, EPT)
    pad = jnp.full((NW, EPT2 - EPT), NP - 1, jnp.int32)
    srcp = jnp.concatenate([src, pad], axis=1)
    dstp = jnp.concatenate([dst, pad], axis=1)
    xp = jnp.zeros((NP, F), jnp.float32).at[:N].set(x)
    b1r = b1.reshape(1, F)
    b2r = b2.reshape(1, F)

    ec = jnp.stack([src.reshape(NW, NCH, CH), dst.reshape(NW, NCH, CH)],
                   axis=2).reshape(NW * NCH, 2, CH)
    hist = _deg_sc(dstp).reshape(NW, NP)
    dismat = _dis_tc(hist)

    h1 = _mm_tc(xp, W1, dismat)
    acc1 = _agg_sc(h1, ec)
    g1 = _fin_relu_tc(acc1, acc1, h1, dismat, b1r)

    h2 = _mm_tc(g1, W2, dismat)
    acc2 = _agg_sc(h2, ec)
    out = _fin_tc(acc2, acc2, h2, dismat, b2r)
    return out[:N]

# --- scband reference (transcript-rebuilt; emitter-appended) ---
"""Pipeline reference for scband-gcl-gcn-22771916603815 (READ-ONLY COPY).

The authoritative reference and input builder live on the scoring server;
editing this copy changes nothing except your own understanding.
"""

import jax, jax.numpy as jnp
import numpy as np

N = 10000
E = 320000
FEAT = 128
HID = 128


def gcn_conv(x, edge_index, W, b):
    # Faithful PyG GCNConv: add self-loops, symmetric normalization D^-1/2 A D^-1/2,
    # linear transform, scatter-add aggregation, bias.
    n = x.shape[0]
    sl = jnp.arange(n, dtype=edge_index.dtype)
    src = jnp.concatenate([edge_index[0], sl])
    dst = jnp.concatenate([edge_index[1], sl])
    ones = jnp.ones(src.shape[0], dtype=x.dtype)
    deg = jnp.zeros(n, dtype=x.dtype).at[dst].add(ones)
    deg_inv_sqrt = jnp.where(deg > 0, 1.0 / jnp.sqrt(deg), 0.0)
    norm = deg_inv_sqrt[src] * deg_inv_sqrt[dst]
    h = x @ W
    msg = h[src] * norm[:, None]
    out = jnp.zeros((n, W.shape[1]), dtype=x.dtype).at[dst].add(msg)
    return out + b


def setup_inputs(seed: int = 0) -> dict:
    key = jax.random.key(seed)
    k1, k2, k3, k4, k5, k6 = jax.random.split(key, 6)
    x = jax.random.normal(k1, (N, FEAT), dtype=jnp.float32)
    edge_index = jax.random.randint(k2, (2, E), 0, N).astype(jnp.int64)
    # conv1: feature_dim=128 -> 128; conv2: 128 -> hidden_dim=128 (glorot-ish init)
    W1 = jax.random.normal(k3, (FEAT, 128), dtype=jnp.float32) * (1.0 / np.sqrt(FEAT))
    b1 = jnp.zeros((128,), dtype=jnp.float32)
    W2 = jax.random.normal(k4, (128, HID), dtype=jnp.float32) * (1.0 / np.sqrt(128))
    b2 = jnp.zeros((HID,), dtype=jnp.float32)
    return {"x": x, "edge_index": edge_index, "W1": W1, "b1": b1, "W2": W2, "b2": b2}


def reference(x, edge_index, W1, b1, W2, b2):
    h = gcn_conv(x, edge_index, W1, b1)
    h = jax.nn.relu(h)
    out = gcn_conv(h, edge_index, W2, b2)
    return out

if __name__ == "__main__":
    import jax
    _d = setup_inputs()
    print(jax.jit(kernel)(*tuple(_d.values())))

</pallas_src>

<mosaic_0001>
#map = affine_map<(d0, d1) -> (0, 0)>
#map1 = affine_map<(d0, d1) -> (0, 0, 0)>
module attributes {stable_mosaic.version = 14 : i64} {
  func.func @_agg_sc(%arg0: i32, %arg1: i32, %arg2: memref<10240x128xf32, #tpu.memory_space<hbm>>, %arg3: memref<4000x2x80xi32, #tpu.memory_space<hbm>>, %arg4: memref<20480x128xf32, #tpu.memory_space<hbm>>, %arg5: memref<2x80xi32, #tpu.memory_space<vmem>>, %arg6: memref<80x128xf32, #tpu.memory_space<vmem>>, %arg7: memref<10240x128xf32, #tpu.memory_space<vmem_shared>>) attributes {dimension_semantics = [#tpu.dimension_semantics<core_parallel>, #tpu.dimension_semantics<subcore_parallel>], iteration_bounds = array<i64: 2, 16>, scalar_prefetch = 0 : i64, scratch_operands = 3 : i64, tpu.core_type = #tpu.core_type<sc_vector_subcore>, window_params = [{transform_indices = #map}, {transform_indices = #map1}, {transform_indices = #map}]} {
    %mul3A = arith.constant 16 : i32
    %mul3A_0 = arith.muli %arg0, %mul3A : i32
    %add3A = arith.addi %mul3A_0, %arg1 : i32
    %mul3A_1 = arith.constant 640 : i32
    %mul3A_2 = arith.muli %arg1, %mul3A_1 : i32
    "tpu.region"() ({
      %run_scoped3A = tpu.sem_alloc : memref<!tpu.dma_semaphore, #tpu.memory_space<semaphore_mem>>
      %dma_start3A = arith.constant 0 : i32
      %dma_start3A_13 = tpu.memref_slice %arg7[%mul3A_2, %dma_start3A] : memref<10240x128xf32, #tpu.memory_space<vmem_shared>> -> memref<640x128xf32, #tpu.memory_space<vmem_shared>>
      %dma_start3A_14 = arith.constant 0 : i32
      %dma_start3A_15 = tpu.memref_slice %arg2[%mul3A_2, %dma_start3A_14] : memref<10240x128xf32, #tpu.memory_space<hbm>> -> memref<640x128xf32, #tpu.memory_space<hbm>>
      tpu.enqueue_dma source(%dma_start3A_15 : memref<640x128xf32, #tpu.memory_space<hbm>>) target(%dma_start3A_13 : memref<640x128xf32, #tpu.memory_space<vmem_shared>>) target_semaphore(%run_scoped3A : memref<!tpu.dma_semaphore, #tpu.memory_space<semaphore_mem>>)
      %dma_wait3A = arith.constant 0 : i32
      %dma_wait3A_16 = tpu.memref_slice %arg7[%mul3A_2, %dma_wait3A] : memref<10240x128xf32, #tpu.memory_space<vmem_shared>> -> memref<640x128xf32, #tpu.memory_space<vmem_shared>>
      %dma_wait3A_17 = arith.constant 0 : i32
      %dma_wait3A_18 = tpu.memref_slice %arg2[%mul3A_2, %dma_wait3A_17] : memref<10240x128xf32, #tpu.memory_space<hbm>> -> memref<640x128xf32, #tpu.memory_space<hbm>>
      tpu.wait_dma2 semaphore(%run_scoped3A : memref<!tpu.dma_semaphore, #tpu.memory_space<semaphore_mem>>) src(%dma_wait3A_18 : memref<640x128xf32, #tpu.memory_space<hbm>>) dst(%dma_wait3A_16 : memref<640x128xf32, #tpu.memory_space<vmem_shared>>)
      tpu.yield
    }) : () -> ()
    %barrier3A = arith.constant 0 : index
    tpu.barrier barrier_id(%barrier3A)
    %mul3A_3 = arith.constant 125 : i32
    %mul3A_4 = arith.muli %add3A, %mul3A_3 : i32
    %scan3A = arith.constant 0 : i32
    %scan3A_5 = arith.constant 125 : i32
    %scan3A_6 = arith.addi %scan3A, %scan3A_5 : i32
    %scan3A_7 = arith.constant 1 : i32
    scf.for %scan3A_13 = %scan3A to %scan3A_6 step %scan3A_7  : i32 {
      %mul3A_14 = arith.constant 1 : i32
      %mul3A_15 = arith.muli %scan3A_13, %mul3A_14 : i32
      %add3A_16 = arith.constant 0 : i32
      %add3A_17 = arith.addi %add3A_16, %mul3A_15 : i32
      %add3A_18 = arith.addi %add3A_17, %mul3A_4 : i32
      "tpu.region"() ({
        %run_scoped3A_20 = tpu.sem_alloc : memref<!tpu.dma_semaphore, #tpu.memory_space<semaphore_mem>>
        %dma_start3A = arith.constant 0 : i32
        %dma_start3A_21 = arith.constant 0 : i32
        %dma_start3A_22 = tpu.memref_slice %arg3[%add3A_18, %dma_start3A, %dma_start3A_21] : memref<4000x2x80xi32, #tpu.memory_space<hbm>> -> memref<1x2x80xi32, #tpu.memory_space<hbm>>
        %dma_start3A_23 = tpu.memref_squeeze %dma_start3A_22 : memref<1x2x80xi32, #tpu.memory_space<hbm>> -> memref<2x80xi32, #tpu.memory_space<hbm>>
        %dma_start3A_24 = arith.constant 0 : i32
        %dma_start3A_25 = arith.constant 0 : i32
        %dma_start3A_26 = tpu.memref_slice %arg3[%add3A_18, %dma_start3A_24, %dma_start3A_25] : memref<4000x2x80xi32, #tpu.memory_space<hbm>> -> memref<1x2x80xi32, #tpu.memory_space<hbm>>
        %dma_start3A_27 = tpu.memref_squeeze %dma_start3A_26 : memref<1x2x80xi32, #tpu.memory_space<hbm>> -> memref<2x80xi32, #tpu.memory_space<hbm>>
        tpu.enqueue_dma source(%dma_start3A_27 : memref<2x80xi32, #tpu.memory_space<hbm>>) target(%arg5 : memref<2x80xi32, #tpu.memory_space<vmem>>) target_semaphore(%run_scoped3A_20 : memref<!tpu.dma_semaphore, #tpu.memory_space<semaphore_mem>>)
        %dma_wait3A = arith.constant 0 : i32
        %dma_wait3A_28 = arith.constant 0 : i32
        %dma_wait3A_29 = tpu.memref_slice %arg3[%add3A_18, %dma_wait3A, %dma_wait3A_28] : memref<4000x2x80xi32, #tpu.memory_space<hbm>> -> memref<1x2x80xi32, #tpu.memory_space<hbm>>
        %dma_wait3A_30 = tpu.memref_squeeze %dma_wait3A_29 : memref<1x2x80xi32, #tpu.memory_space<hbm>> -> memref<2x80xi32, #tpu.memory_space<hbm>>
        %dma_wait3A_31 = arith.constant 0 : i32
        %dma_wait3A_32 = arith.constant 0 : i32
        %dma_wait3A_33 = tpu.memref_slice %arg3[%add3A_18, %dma_wait3A_31, %dma_wait3A_32] : memref<4000x2x80xi32, #tpu.memory_space<hbm>> -> memref<1x2x80xi32, #tpu.memory_space<hbm>>
        %dma_wait3A_34 = tpu.memref_squeeze %dma_wait3A_33 : memref<1x2x80xi32, #tpu.memory_space<hbm>> -> memref<2x80xi32, #tpu.memory_space<hbm>>
        tpu.wait_dma2 semaphore(%run_scoped3A_20 : memref<!tpu.dma_semaphore, #tpu.memory_space<semaphore_mem>>) src(%dma_wait3A_34 : memref<2x80xi32, #tpu.memory_space<hbm>>) dst(%arg5 : memref<2x80xi32, #tpu.memory_space<vmem>>)
        tpu.yield
      }) : () -> ()
      %run_scoped3A = arith.constant 0 : i32
      "tpu.region"() ({
        %run_scoped3A_20 = tpu.sem_alloc : memref<!tpu.dma_semaphore, #tpu.memory_space<semaphore_mem>>
        %dma_start3A = arith.constant 0 : i32
        %dma_start3A_21 = tpu.memref_slice %arg5[%run_scoped3A, %dma_start3A] : memref<2x80xi32, #tpu.memory_space<vmem>> -> memref<1x80xi32, #tpu.memory_space<vmem>>
        %dma_start3A_22 = tpu.memref_squeeze %dma_start3A_21 : memref<1x80xi32, #tpu.memory_space<vmem>> -> memref<80xi32, #tpu.memory_space<vmem>>
        %dma_start3A_23 = arith.constant 0 : i32
        %dma_start3A_24 = arith.constant 0 : i32
        %dma_start3A_25 = tpu.memref_slice %arg2[%dma_start3A_23, %dma_start3A_24] : memref<10240x128xf32, #tpu.memory_space<hbm>> -> memref<10240x128xf32, #tpu.memory_space<hbm>>
        tpu.enqueue_indirect_dma source(%dma_start3A_25 : memref<10240x128xf32, #tpu.memory_space<hbm>>) target(%arg6 : memref<80x128xf32, #tpu.memory_space<vmem>>) offsets(%dma_start3A_22 : memref<80xi32, #tpu.memory_space<vmem>>) semaphore(%run_scoped3A_20 : memref<!tpu.dma_semaphore, #tpu.memory_space<semaphore_mem>>)
        %dma_wait3A = arith.constant 0 : i32
        %dma_wait3A_26 = tpu.memref_slice %arg5[%run_scoped3A, %dma_wait3A] : memref<2x80xi32, #tpu.memory_space<vmem>> -> memref<1x80xi32, #tpu.memory_space<vmem>>
        %dma_wait3A_27 = tpu.memref_squeeze %dma_wait3A_26 : memref<1x80xi32, #tpu.memory_space<vmem>> -> memref<80xi32, #tpu.memory_space<vmem>>
        %dma_wait3A_28 = arith.constant 0 : i32
        %dma_wait3A_29 = arith.constant 0 : i32
        %dma_wait3A_30 = tpu.memref_slice %arg2[%dma_wait3A_28, %dma_wait3A_29] : memref<10240x128xf32, #tpu.memory_space<hbm>> -> memref<10240x128xf32, #tpu.memory_space<hbm>>
        tpu.wait_indirect_dma semaphore(%run_scoped3A_20 : memref<!tpu.dma_semaphore, #tpu.memory_space<semaphore_mem>>) src(%dma_wait3A_30 : memref<10240x128xf32, #tpu.memory_space<hbm>>) dst(%arg6 : memref<80x128xf32, #tpu.memory_space<vmem>>)
        tpu.yield
      }) : () -> ()
      %run_scoped3A_19 = arith.constant 1 : i32
      "tpu.region"() ({
        %run_scoped3A_20 = tpu.sem_alloc : memref<!tpu.dma_semaphore, #tpu.memory_space<semaphore_mem>>
        %dma_start3A = arith.constant 0 : i32
        %dma_start3A_21 = tpu.memref_slice %arg5[%run_scoped3A_19, %dma_start3A] : memref<2x80xi32, #tpu.memory_space<vmem>> -> memref<1x80xi32, #tpu.memory_space<vmem>>
        %dma_start3A_22 = tpu.memref_squeeze %dma_start3A_21 : memref<1x80xi32, #tpu.memory_space<vmem>> -> memref<80xi32, #tpu.memory_space<vmem>>
        %dma_start3A_23 = arith.constant 0 : i32
        %dma_start3A_24 = arith.constant 0 : i32
        %dma_start3A_25 = tpu.memref_slice %arg7[%dma_start3A_23, %dma_start3A_24] : memref<10240x128xf32, #tpu.memory_space<vmem_shared>> -> memref<10240x128xf32, #tpu.memory_space<vmem_shared>>
        tpu.enqueue_indirect_dma source(%arg6 : memref<80x128xf32, #tpu.memory_space<vmem>>) target(%dma_start3A_25 : memref<10240x128xf32, #tpu.memory_space<vmem_shared>>) offsets(%dma_start3A_22 : memref<80xi32, #tpu.memory_space<vmem>>) semaphore(%run_scoped3A_20 : memref<!tpu.dma_semaphore, #tpu.memory_space<semaphore_mem>>) {add = true}
        %dma_wait3A = arith.constant 0 : i32
        %dma_wait3A_26 = tpu.memref_slice %arg5[%run_scoped3A_19, %dma_wait3A] : memref<2x80xi32, #tpu.memory_space<vmem>> -> memref<1x80xi32, #tpu.memory_space<vmem>>
        %dma_wait3A_27 = tpu.memref_squeeze %dma_wait3A_26 : memref<1x80xi32, #tpu.memory_space<vmem>> -> memref<80xi32, #tpu.memory_space<vmem>>
        %dma_wait3A_28 = arith.constant 0 : i32
        %dma_wait3A_29 = arith.constant 0 : i32
        %dma_wait3A_30 = tpu.memref_slice %arg7[%dma_wait3A_28, %dma_wait3A_29] : memref<10240x128xf32, #tpu.memory_space<vmem_shared>> -> memref<10240x128xf32, #tpu.memory_space<vmem_shared>>
        tpu.wait_indirect_dma semaphore(%run_scoped3A_20 : memref<!tpu.dma_semaphore, #tpu.memory_space<semaphore_mem>>) src(%arg6 : memref<80x128xf32, #tpu.memory_space<vmem>>) dst(%dma_wait3A_30 : memref<10240x128xf32, #tpu.memory_space<vmem_shared>>)
        tpu.yield
      }) : () -> ()
    }
    %scan3A_8 = arith.constant 125 : i32
    %barrier3A_9 = arith.constant 0 : index
    tpu.barrier barrier_id(%barrier3A_9)
    %mul3A_10 = arith.constant 10240 : i32
    %mul3A_11 = arith.muli %arg0, %mul3A_10 : i32
    %add3A_12 = arith.addi %mul3A_11, %mul3A_2 : i32
    "tpu.region"() ({
      %run_scoped3A = tpu.sem_alloc : memref<!tpu.dma_semaphore, #tpu.memory_space<semaphore_mem>>
      %dma_start3A = arith.constant 0 : i32
      %dma_start3A_13 = tpu.memref_slice %arg4[%add3A_12, %dma_start3A] : memref<20480x128xf32, #tpu.memory_space<hbm>> -> memref<640x128xf32, #tpu.memory_space<hbm>>
      %dma_start3A_14 = arith.constant 0 : i32
      %dma_start3A_15 = tpu.memref_slice %arg7[%mul3A_2, %dma_start3A_14] : memref<10240x128xf32, #tpu.memory_space<vmem_shared>> -> memref<640x128xf32, #tpu.memory_space<vmem_shared>>
      tpu.enqueue_dma source(%dma_start3A_15 : memref<640x128xf32, #tpu.memory_space<vmem_shared>>) target(%dma_start3A_13 : memref<640x128xf32, #tpu.memory_space<hbm>>) target_semaphore(%run_scoped3A : memref<!tpu.dma_semaphore, #tpu.memory_space<semaphore_mem>>)
      %dma_wait3A = arith.constant 0 : i32
      %dma_wait3A_16 = tpu.memref_slice %arg4[%add3A_12, %dma_wait3A] : memref<20480x128xf32, #tpu.memory_space<hbm>> -> memref<640x128xf32, #tpu.memory_space<hbm>>
      %dma_wait3A_17 = arith.constant 0 : i32
      %dma_wait3A_18 = tpu.memref_slice %arg7[%mul3A_2, %dma_wait3A_17] : memref<10240x128xf32, #tpu.memory_space<vmem_shared>> -> memref<640x128xf32, #tpu.memory_space<vmem_shared>>
      tpu.wait_dma2 semaphore(%run_scoped3A : memref<!tpu.dma_semaphore, #tpu.memory_space<semaphore_mem>>) src(%dma_wait3A_18 : memref<640x128xf32, #tpu.memory_space<vmem_shared>>) dst(%dma_wait3A_16 : memref<640x128xf32, #tpu.memory_space<hbm>>)
      tpu.yield
    }) : () -> ()
    return
  }
}

#map = affine_map<(d0, d1) -> (0, 0)>
#map1 = affine_map<(d0, d1) -> (0)>
module attributes {stable_mosaic.version = 14 : i64} {
  func.func @_deg_sc(%arg0: i32, %arg1: i32, %arg2: memref<32x10240xi32, #tpu.memory_space<hbm>>, %arg3: memref<327680xf32, #tpu.memory_space<hbm>>, %arg4: memref<10240xi32, #tpu.memory_space<vmem>>, %arg5: memref<10240xf32, #tpu.memory_space<vmem>>) attributes {dimension_semantics = [#tpu.dimension_semantics<core_parallel>, #tpu.dimension_semantics<subcore_parallel>], iteration_bounds = array<i64: 2, 16>, scalar_prefetch = 0 : i64, scratch_operands = 2 : i64, tpu.core_type = #tpu.core_type<sc_vector_subcore>, window_params = [{transform_indices = #map}, {transform_indices = #map1}]} {
    %mul3A = arith.constant 16 : i32
    %mul3A_0 = arith.muli %arg0, %mul3A : i32
    %add3A = arith.addi %mul3A_0, %arg1 : i32
    "tpu.region"() ({
      %run_scoped3A = tpu.sem_alloc : memref<!tpu.dma_semaphore, #tpu.memory_space<semaphore_mem>>
      %dma_start3A = arith.constant 0 : i32
      %dma_start3A_13 = tpu.memref_slice %arg2[%add3A, %dma_start3A] : memref<32x10240xi32, #tpu.memory_space<hbm>> -> memref<1x10240xi32, #tpu.memory_space<hbm>>
      %dma_start3A_14 = tpu.memref_squeeze %dma_start3A_13 : memref<1x10240xi32, #tpu.memory_space<hbm>> -> memref<10240xi32, #tpu.memory_space<hbm>>
      %dma_start3A_15 = arith.constant 0 : i32
      %dma_start3A_16 = tpu.memref_slice %arg2[%add3A, %dma_start3A_15] : memref<32x10240xi32, #tpu.memory_space<hbm>> -> memref<1x10240xi32, #tpu.memory_space<hbm>>
      %dma_start3A_17 = tpu.memref_squeeze %dma_start3A_16 : memref<1x10240xi32, #tpu.memory_space<hbm>> -> memref<10240xi32, #tpu.memory_space<hbm>>
      tpu.enqueue_dma source(%dma_start3A_17 : memref<10240xi32, #tpu.memory_space<hbm>>) target(%arg4 : memref<10240xi32, #tpu.memory_space<vmem>>) target_semaphore(%run_scoped3A : memref<!tpu.dma_semaphore, #tpu.memory_space<semaphore_mem>>)
      %dma_wait3A = arith.constant 0 : i32
      %dma_wait3A_18 = tpu.memref_slice %arg2[%add3A, %dma_wait3A] : memref<32x10240xi32, #tpu.memory_space<hbm>> -> memref<1x10240xi32, #tpu.memory_space<hbm>>
      %dma_wait3A_19 = tpu.memref_squeeze %dma_wait3A_18 : memref<1x10240xi32, #tpu.memory_space<hbm>> -> memref<10240xi32, #tpu.memory_space<hbm>>
      %dma_wait3A_20 = arith.constant 0 : i32
      %dma_wait3A_21 = tpu.memref_slice %arg2[%add3A, %dma_wait3A_20] : memref<32x10240xi32, #tpu.memory_space<hbm>> -> memref<1x10240xi32, #tpu.memory_space<hbm>>
      %dma_wait3A_22 = tpu.memref_squeeze %dma_wait3A_21 : memref<1x10240xi32, #tpu.memory_space<hbm>> -> memref<10240xi32, #tpu.memory_space<hbm>>
      tpu.wait_dma2 semaphore(%run_scoped3A : memref<!tpu.dma_semaphore, #tpu.memory_space<semaphore_mem>>) src(%dma_wait3A_22 : memref<10240xi32, #tpu.memory_space<hbm>>) dst(%arg4 : memref<10240xi32, #tpu.memory_space<vmem>>)
      tpu.yield
    }) : () -> ()
    %scan3A = arith.constant 0 : i32
    %scan3A_1 = arith.constant 640 : i32
    %scan3A_2 = arith.addi %scan3A, %scan3A_1 : i32
    %scan3A_3 = arith.constant 1 : i32
    scf.for %scan3A_13 = %scan3A to %scan3A_2 step %scan3A_3  : i32 {
      %mul3A_14 = arith.constant 16 : i32
      %mul3A_15 = arith.muli %scan3A_13, %mul3A_14 : i32
      %add3A_16 = arith.constant 0 : i32
      %add3A_17 = arith.addi %add3A_16, %mul3A_15 : i32
      %broadcast_in_dim3A_18 = arith.constant 0.000000e+00 : f32
      %broadcast_in_dim3A_19 = vector.broadcast %broadcast_in_dim3A_18 : f32 to vector<16xf32>
      %swap3A = arith.index_cast %add3A_17 : i32 to index
      %swap3A_20 = tpu.vector_load %arg5[%swap3A] {strides = array<i32>} : memref<10240xf32, #tpu.memory_space<vmem>>, vector<16xf32>,
      tpu.vector_store %arg5[%swap3A], %broadcast_in_dim3A_19 {strides = array<i32>} : memref<10240xf32, #tpu.memory_space<vmem>>, vector<16xf32>,
    }
    %scan3A_4 = arith.constant 640 : i32
    %broadcast_in_dim3A = arith.constant 1.000000e+00 : f32
    %broadcast_in_dim3A_5 = vector.broadcast %broadcast_in_dim3A : f32 to vector<16xf32>
    %scan3A_6 = arith.constant 0 : i32
    %scan3A_7 = arith.constant 640 : i32
    %scan3A_8 = arith.addi %scan3A_6, %scan3A_7 : i32
    %scan3A_9 = arith.constant 1 : i32
    scf.for %scan3A_13 = %scan3A_6 to %scan3A_8 step %scan3A_9  : i32 {
      %mul3A_14 = arith.constant 16 : i32
      %mul3A_15 = arith.muli %scan3A_13, %mul3A_14 : i32
      %add3A_16 = arith.constant 0 : i32
      %add3A_17 = arith.addi %add3A_16, %mul3A_15 : i32
      %get3A = arith.index_cast %add3A_17 : i32 to index
      %get3A_18 = tpu.vector_load %arg4[%get3A] {strides = array<i32>} : memref<10240xi32, #tpu.memory_space<vmem>>, vector<16xi32>,
      tpu.vector_store_idx %arg5[%get3A_18], %broadcast_in_dim3A_5 {add = true} : memref<10240xf32, #tpu.memory_space<vmem>>[vector<16xi32>], vector<16xf32>,
    }
    %scan3A_10 = arith.constant 640 : i32
    %mul3A_11 = arith.constant 10240 : i32
    %mul3A_12 = arith.muli %add3A, %mul3A_11 : i32
    "tpu.region"() ({
      %run_scoped3A = tpu.sem_alloc : memref<!tpu.dma_semaphore, #tpu.memory_space<semaphore_mem>>
      %dma_start3A = tpu.memref_slice %arg3[%mul3A_12] : memref<327680xf32, #tpu.memory_space<hbm>> -> memref<10240xf32, #tpu.memory_space<hbm>>
      %dma_start3A_13 = tpu.memref_slice %arg3[%mul3A_12] : memref<327680xf32, #tpu.memory_space<hbm>> -> memref<10240xf32, #tpu.memory_space<hbm>>
      tpu.enqueue_dma source(%arg5 : memref<10240xf32, #tpu.memory_space<vmem>>) target(%dma_start3A_13 : memref<10240xf32, #tpu.memory_space<hbm>>) target_semaphore(%run_scoped3A : memref<!tpu.dma_semaphore, #tpu.memory_space<semaphore_mem>>)
      %dma_wait3A = tpu.memref_slice %arg3[%mul3A_12] : memref<327680xf32, #tpu.memory_space<hbm>> -> memref<10240xf32, #tpu.memory_space<hbm>>
      %dma_wait3A_14 = tpu.memref_slice %arg3[%mul3A_12] : memref<327680xf32, #tpu.memory_space<hbm>> -> memref<10240xf32, #tpu.memory_space<hbm>>
      tpu.wait_dma2 semaphore(%run_scoped3A : memref<!tpu.dma_semaphore, #tpu.memory_space<semaphore_mem>>) src(%arg5 : memref<10240xf32, #tpu.memory_space<vmem>>) dst(%dma_wait3A_14 : memref<10240xf32, #tpu.memory_space<hbm>>)
      tpu.yield
    }) : () -> ()
    return
  }
}

#map = affine_map<(d0, d1) -> (0, 0)>
#map1 = affine_map<(d0, d1) -> (0, 0, 0)>
module attributes {stable_mosaic.version = 14 : i64} {
  func.func @_agg_sc(%arg0: i32, %arg1: i32, %arg2: memref<10240x128xf32, #tpu.memory_space<hbm>>, %arg3: memref<4000x2x80xi32, #tpu.memory_space<hbm>>, %arg4: memref<20480x128xf32, #tpu.memory_space<hbm>>, %arg5: memref<2x80xi32, #tpu.memory_space<vmem>>, %arg6: memref<80x128xf32, #tpu.memory_space<vmem>>, %arg7: memref<10240x128xf32, #tpu.memory_space<vmem_shared>>) attributes {dimension_semantics = [#tpu.dimension_semantics<core_parallel>, #tpu.dimension_semantics<subcore_parallel>], iteration_bounds = array<i64: 2, 16>, scalar_prefetch = 0 : i64, scratch_operands = 3 : i64, tpu.core_type = #tpu.core_type<sc_vector_subcore>, window_params = [{transform_indices = #map}, {transform_indices = #map1}, {transform_indices = #map}]} {
    %mul3A = arith.constant 16 : i32
    %mul3A_0 = arith.muli %arg0, %mul3A : i32
    %add3A = arith.addi %mul3A_0, %arg1 : i32
    %mul3A_1 = arith.constant 640 : i32
    %mul3A_2 = arith.muli %arg1, %mul3A_1 : i32
    "tpu.region"() ({
      %run_scoped3A = tpu.sem_alloc : memref<!tpu.dma_semaphore, #tpu.memory_space<semaphore_mem>>
      %dma_start3A = arith.constant 0 : i32
      %dma_start3A_13 = tpu.memref_slice %arg7[%mul3A_2, %dma_start3A] : memref<10240x128xf32, #tpu.memory_space<vmem_shared>> -> memref<640x128xf32, #tpu.memory_space<vmem_shared>>
      %dma_start3A_14 = arith.constant 0 : i32
      %dma_start3A_15 = tpu.memref_slice %arg2[%mul3A_2, %dma_start3A_14] : memref<10240x128xf32, #tpu.memory_space<hbm>> -> memref<640x128xf32, #tpu.memory_space<hbm>>
      tpu.enqueue_dma source(%dma_start3A_15 : memref<640x128xf32, #tpu.memory_space<hbm>>) target(%dma_start3A_13 : memref<640x128xf32, #tpu.memory_space<vmem_shared>>) target_semaphore(%run_scoped3A : memref<!tpu.dma_semaphore, #tpu.memory_space<semaphore_mem>>)
      %dma_wait3A = arith.constant 0 : i32
      %dma_wait3A_16 = tpu.memref_slice %arg7[%mul3A_2, %dma_wait3A] : memref<10240x128xf32, #tpu.memory_space<vmem_shared>> -> memref<640x128xf32, #tpu.memory_space<vmem_shared>>
      %dma_wait3A_17 = arith.constant 0 : i32
      %dma_wait3A_18 = tpu.memref_slice %arg2[%mul3A_2, %dma_wait3A_17] : memref<10240x128xf32, #tpu.memory_space<hbm>> -> memref<640x128xf32, #tpu.memory_space<hbm>>
      tpu.wait_dma2 semaphore(%run_scoped3A : memref<!tpu.dma_semaphore, #tpu.memory_space<semaphore_mem>>) src(%dma_wait3A_18 : memref<640x128xf32, #tpu.memory_space<hbm>>) dst(%dma_wait3A_16 : memref<640x128xf32, #tpu.memory_space<vmem_shared>>)
      tpu.yield
    }) : () -> ()
    %barrier3A = arith.constant 0 : index
    tpu.barrier barrier_id(%barrier3A)
    %mul3A_3 = arith.constant 125 : i32
    %mul3A_4 = arith.muli %add3A, %mul3A_3 : i32
    %scan3A = arith.constant 0 : i32
    %scan3A_5 = arith.constant 125 : i32
    %scan3A_6 = arith.addi %scan3A, %scan3A_5 : i32
    %scan3A_7 = arith.constant 1 : i32
    scf.for %scan3A_13 = %scan3A to %scan3A_6 step %scan3A_7  : i32 {
      %mul3A_14 = arith.constant 1 : i32
      %mul3A_15 = arith.muli %scan3A_13, %mul3A_14 : i32
      %add3A_16 = arith.constant 0 : i32
      %add3A_17 = arith.addi %add3A_16, %mul3A_15 : i32
      %add3A_18 = arith.addi %add3A_17, %mul3A_4 : i32
      "tpu.region"() ({
        %run_scoped3A_20 = tpu.sem_alloc : memref<!tpu.dma_semaphore, #tpu.memory_space<semaphore_mem>>
        %dma_start3A = arith.constant 0 : i32
        %dma_start3A_21 = arith.constant 0 : i32
        %dma_start3A_22 = tpu.memref_slice %arg3[%add3A_18, %dma_start3A, %dma_start3A_21] : memref<4000x2x80xi32, #tpu.memory_space<hbm>> -> memref<1x2x80xi32, #tpu.memory_space<hbm>>
        %dma_start3A_23 = tpu.memref_squeeze %dma_start3A_22 : memref<1x2x80xi32, #tpu.memory_space<hbm>> -> memref<2x80xi32, #tpu.memory_space<hbm>>
        %dma_start3A_24 = arith.constant 0 : i32
        %dma_start3A_25 = arith.constant 0 : i32
        %dma_start3A_26 = tpu.memref_slice %arg3[%add3A_18, %dma_start3A_24, %dma_start3A_25] : memref<4000x2x80xi32, #tpu.memory_space<hbm>> -> memref<1x2x80xi32, #tpu.memory_space<hbm>>
        %dma_start3A_27 = tpu.memref_squeeze %dma_start3A_26 : memref<1x2x80xi32, #tpu.memory_space<hbm>> -> memref<2x80xi32, #tpu.memory_space<hbm>>
        tpu.enqueue_dma source(%dma_start3A_27 : memref<2x80xi32, #tpu.memory_space<hbm>>) target(%arg5 : memref<2x80xi32, #tpu.memory_space<vmem>>) target_semaphore(%run_scoped3A_20 : memref<!tpu.dma_semaphore, #tpu.memory_space<semaphore_mem>>)
        %dma_wait3A = arith.constant 0 : i32
        %dma_wait3A_28 = arith.constant 0 : i32
        %dma_wait3A_29 = tpu.memref_slice %arg3[%add3A_18, %dma_wait3A, %dma_wait3A_28] : memref<4000x2x80xi32, #tpu.memory_space<hbm>> -> memref<1x2x80xi32, #tpu.memory_space<hbm>>
        %dma_wait3A_30 = tpu.memref_squeeze %dma_wait3A_29 : memref<1x2x80xi32, #tpu.memory_space<hbm>> -> memref<2x80xi32, #tpu.memory_space<hbm>>
        %dma_wait3A_31 = arith.constant 0 : i32
        %dma_wait3A_32 = arith.constant 0 : i32
        %dma_wait3A_33 = tpu.memref_slice %arg3[%add3A_18, %dma_wait3A_31, %dma_wait3A_32] : memref<4000x2x80xi32, #tpu.memory_space<hbm>> -> memref<1x2x80xi32, #tpu.memory_space<hbm>>
        %dma_wait3A_34 = tpu.memref_squeeze %dma_wait3A_33 : memref<1x2x80xi32, #tpu.memory_space<hbm>> -> memref<2x80xi32, #tpu.memory_space<hbm>>
        tpu.wait_dma2 semaphore(%run_scoped3A_20 : memref<!tpu.dma_semaphore, #tpu.memory_space<semaphore_mem>>) src(%dma_wait3A_34 : memref<2x80xi32, #tpu.memory_space<hbm>>) dst(%arg5 : memref<2x80xi32, #tpu.memory_space<vmem>>)
        tpu.yield
      }) : () -> ()
      %run_scoped3A = arith.constant 0 : i32
      "tpu.region"() ({
        %run_scoped3A_20 = tpu.sem_alloc : memref<!tpu.dma_semaphore, #tpu.memory_space<semaphore_mem>>
        %dma_start3A = arith.constant 0 : i32
        %dma_start3A_21 = tpu.memref_slice %arg5[%run_scoped3A, %dma_start3A] : memref<2x80xi32, #tpu.memory_space<vmem>> -> memref<1x80xi32, #tpu.memory_space<vmem>>
        %dma_start3A_22 = tpu.memref_squeeze %dma_start3A_21 : memref<1x80xi32, #tpu.memory_space<vmem>> -> memref<80xi32, #tpu.memory_space<vmem>>
        %dma_start3A_23 = arith.constant 0 : i32
        %dma_start3A_24 = arith.constant 0 : i32
        %dma_start3A_25 = tpu.memref_slice %arg2[%dma_start3A_23, %dma_start3A_24] : memref<10240x128xf32, #tpu.memory_space<hbm>> -> memref<10240x128xf32, #tpu.memory_space<hbm>>
        tpu.enqueue_indirect_dma source(%dma_start3A_25 : memref<10240x128xf32, #tpu.memory_space<hbm>>) target(%arg6 : memref<80x128xf32, #tpu.memory_space<vmem>>) offsets(%dma_start3A_22 : memref<80xi32, #tpu.memory_space<vmem>>) semaphore(%run_scoped3A_20 : memref<!tpu.dma_semaphore, #tpu.memory_space<semaphore_mem>>)
        %dma_wait3A = arith.constant 0 : i32
        %dma_wait3A_26 = tpu.memref_slice %arg5[%run_scoped3A, %dma_wait3A] : memref<2x80xi32, #tpu.memory_space<vmem>> -> memref<1x80xi32, #tpu.memory_space<vmem>>
        %dma_wait3A_27 = tpu.memref_squeeze %dma_wait3A_26 : memref<1x80xi32, #tpu.memory_space<vmem>> -> memref<80xi32, #tpu.memory_space<vmem>>
        %dma_wait3A_28 = arith.constant 0 : i32
        %dma_wait3A_29 = arith.constant 0 : i32
        %dma_wait3A_30 = tpu.memref_slice %arg2[%dma_wait3A_28, %dma_wait3A_29] : memref<10240x128xf32, #tpu.memory_space<hbm>> -> memref<10240x128xf32, #tpu.memory_space<hbm>>
        tpu.wait_indirect_dma semaphore(%run_scoped3A_20 : memref<!tpu.dma_semaphore, #tpu.memory_space<semaphore_mem>>) src(%dma_wait3A_30 : memref<10240x128xf32, #tpu.memory_space<hbm>>) dst(%arg6 : memref<80x128xf32, #tpu.memory_space<vmem>>)
        tpu.yield
      }) : () -> ()
      %run_scoped3A_19 = arith.constant 1 : i32
      "tpu.region"() ({
        %run_scoped3A_20 = tpu.sem_alloc : memref<!tpu.dma_semaphore, #tpu.memory_space<semaphore_mem>>
        %dma_start3A = arith.constant 0 : i32
        %dma_start3A_21 = tpu.memref_slice %arg5[%run_scoped3A_19, %dma_start3A] : memref<2x80xi32, #tpu.memory_space<vmem>> -> memref<1x80xi32, #tpu.memory_space<vmem>>
        %dma_start3A_22 = tpu.memref_squeeze %dma_start3A_21 : memref<1x80xi32, #tpu.memory_space<vmem>> -> memref<80xi32, #tpu.memory_space<vmem>>
        %dma_start3A_23 = arith.constant 0 : i32
        %dma_start3A_24 = arith.constant 0 : i32
        %dma_start3A_25 = tpu.memref_slice %arg7[%dma_start3A_23, %dma_start3A_24] : memref<10240x128xf32, #tpu.memory_space<vmem_shared>> -> memref<10240x128xf32, #tpu.memory_space<vmem_shared>>
        tpu.enqueue_indirect_dma source(%arg6 : memref<80x128xf32, #tpu.memory_space<vmem>>) target(%dma_start3A_25 : memref<10240x128xf32, #tpu.memory_space<vmem_shared>>) offsets(%dma_start3A_22 : memref<80xi32, #tpu.memory_space<vmem>>) semaphore(%run_scoped3A_20 : memref<!tpu.dma_semaphore, #tpu.memory_space<semaphore_mem>>) {add = true}
        %dma_wait3A = arith.constant 0 : i32
        %dma_wait3A_26 = tpu.memref_slice %arg5[%run_scoped3A_19, %dma_wait3A] : memref<2x80xi32, #tpu.memory_space<vmem>> -> memref<1x80xi32, #tpu.memory_space<vmem>>
        %dma_wait3A_27 = tpu.memref_squeeze %dma_wait3A_26 : memref<1x80xi32, #tpu.memory_space<vmem>> -> memref<80xi32, #tpu.memory_space<vmem>>
        %dma_wait3A_28 = arith.constant 0 : i32
        %dma_wait3A_29 = arith.constant 0 : i32
        %dma_wait3A_30 = tpu.memref_slice %arg7[%dma_wait3A_28, %dma_wait3A_29] : memref<10240x128xf32, #tpu.memory_space<vmem_shared>> -> memref<10240x128xf32, #tpu.memory_space<vmem_shared>>
        tpu.wait_indirect_dma semaphore(%run_scoped3A_20 : memref<!tpu.dma_semaphore, #tpu.memory_space<semaphore_mem>>) src(%arg6 : memref<80x128xf32, #tpu.memory_space<vmem>>) dst(%dma_wait3A_30 : memref<10240x128xf32, #tpu.memory_space<vmem_shared>>)
        tpu.yield
      }) : () -> ()
    }
    %scan3A_8 = arith.constant 125 : i32
    %barrier3A_9 = arith.constant 0 : index
    tpu.barrier barrier_id(%barrier3A_9)
    %mul3A_10 = arith.constant 10240 : i32
    %mul3A_11 = arith.muli %arg0, %mul3A_10 : i32
    %add3A_12 = arith.addi %mul3A_11, %mul3A_2 : i32
    "tpu.region"() ({
      %run_scoped3A = tpu.sem_alloc : memref<!tpu.dma_semaphore, #tpu.memory_space<semaphore_mem>>
      %dma_start3A = arith.constant 0 : i32
      %dma_start3A_13 = tpu.memref_slice %arg4[%add3A_12, %dma_start3A] : memref<20480x128xf32, #tpu.memory_space<hbm>> -> memref<640x128xf32, #tpu.memory_space<hbm>>
      %dma_start3A_14 = arith.constant 0 : i32
      %dma_start3A_15 = tpu.memref_slice %arg7[%mul3A_2, %dma_start3A_14] : memref<10240x128xf32, #tpu.memory_space<vmem_shared>> -> memref<640x128xf32, #tpu.memory_space<vmem_shared>>
      tpu.enqueue_dma source(%dma_start3A_15 : memref<640x128xf32, #tpu.memory_space<vmem_shared>>) target(%dma_start3A_13 : memref<640x128xf32, #tpu.memory_space<hbm>>) target_semaphore(%run_scoped3A : memref<!tpu.dma_semaphore, #tpu.memory_space<semaphore_mem>>)
      %dma_wait3A = arith.constant 0 : i32
      %dma_wait3A_16 = tpu.memref_slice %arg4[%add3A_12, %dma_wait3A] : memref<20480x128xf32, #tpu.memory_space<hbm>> -> memref<640x128xf32, #tpu.memory_space<hbm>>
      %dma_wait3A_17 = arith.constant 0 : i32
      %dma_wait3A_18 = tpu.memref_slice %arg7[%mul3A_2, %dma_wait3A_17] : memref<10240x128xf32, #tpu.memory_space<vmem_shared>> -> memref<640x128xf32, #tpu.memory_space<vmem_shared>>
      tpu.wait_dma2 semaphore(%run_scoped3A : memref<!tpu.dma_semaphore, #tpu.memory_space<semaphore_mem>>) src(%dma_wait3A_18 : memref<640x128xf32, #tpu.memory_space<vmem_shared>>) dst(%dma_wait3A_16 : memref<640x128xf32, #tpu.memory_space<hbm>>)
      tpu.yield
    }) : () -> ()
    return
  }
}

module attributes {stable_mosaic.version = 14 : i64} {
  func.func @_dis_body(%arg0: i32, %arg1: memref<32x128xf32, #tpu.memory_space<vmem>>, %arg2: memref<128x128xf32, #tpu.memory_space<vmem>>) attributes {dimension_semantics = [#tpu.dimension_semantics<arbitrary>], iteration_bounds = array<i64: 80>, scalar_prefetch = 0 : i64, scratch_operands = 0 : i64, tpu.core_type = #tpu.core_type<tc>, window_params = [{transform_indices = @transform_0, window_bounds = array<i64: 32, 128>}, {transform_indices = @transform_1, window_bounds = array<i64: 128, 128>}]} {
    %broadcast_in_dim3A = arith.constant 1.000000e+00 : f32
    %broadcast_in_dim3A_0 = vector.broadcast %broadcast_in_dim3A : f32 to vector<32x1xf32>
    %get3A = arith.constant 0 : index
    %get3A_1 = arith.constant 0 : index
    %get3A_2 = vector.load %arg1[%get3A, %get3A_1] : memref<32x128xf32, #tpu.memory_space<vmem>>, vector<32x128xf32>
    %dot_general3A = arith.constant dense<0.000000e+00> : vector<128x1xf32>
    %dot_general3A_3 = tpu.matmul %get3A_2, %broadcast_in_dim3A_0, %dot_general3A {dimension_numbers = #tpu.dot_dimension_numbers<[0], [0], [1], [1], [0, 1, 1, 1], [], []>, precision = #tpu.contract_precision<fp32>, transpose_lhs_hint = false} : vector<32x128xf32>, vector<32x1xf32>, vector<128x1xf32> -> vector<128x1xf32>
    %add3A = arith.constant 1.000000e+00 : f32
    %add3A_4 = vector.broadcast %add3A : f32 to vector<128x1xf32>
    %add3A_5 = arith.addf %dot_general3A_3, %add3A_4 : vector<128x1xf32>
    %rsqrt3A = math.rsqrt %add3A_5 : vector<128x1xf32>
    %broadcast_in_dim3A_6 = vector.shape_cast %rsqrt3A : vector<128x1xf32> to vector<128x1xf32>
    %broadcast_in_dim3A_7 = vector.broadcast %broadcast_in_dim3A_6 : vector<128x1xf32> to vector<128x128xf32>
    %swap3A = arith.constant 0 : index
    %swap3A_8 = arith.constant 0 : index
    %swap3A_9 = vector.load %arg2[%swap3A, %swap3A_8] : memref<128x128xf32, #tpu.memory_space<vmem>>, vector<128x128xf32>
    tpu.vector_store %arg2[%swap3A, %swap3A_8], %broadcast_in_dim3A_7 {strides = array<i32>} : memref<128x128xf32, #tpu.memory_space<vmem>>, vector<128x128xf32>,
    return
  }
  func.func @transform_0(%arg0: i32) -> (i32, i32) {
    %c0_i32 = arith.constant 0 : i32
    %c0_i32_0 = arith.constant 0 : i32
    return %c0_i32, %arg0 : i32, i32
  }
  func.func @transform_1(%arg0: i32) -> (i32, i32) {
    %c0_i32 = arith.constant 0 : i32
    %c0_i32_0 = arith.constant 0 : i32
    return %arg0, %c0_i32 : i32, i32
  }
}

module attributes {stable_mosaic.version = 14 : i64} {
  func.func @_mm_body(%arg0: i32, %arg1: memref<512x128xf32, #tpu.memory_space<vmem>>, %arg2: memref<128x128xf32, #tpu.memory_space<vmem>>, %arg3: memref<512x128xf32, #tpu.memory_space<vmem>>, %arg4: memref<512x128xf32, #tpu.memory_space<vmem>>) attributes {dimension_semantics = [#tpu.dimension_semantics<arbitrary>], iteration_bounds = array<i64: 20>, scalar_prefetch = 0 : i64, scratch_operands = 0 : i64, tpu.core_type = #tpu.core_type<tc>, window_params = [{transform_indices = @transform_0, window_bounds = array<i64: 512, 128>}, {pipeline_mode = #tpu.pipeline_mode<synchronous>, transform_indices = @transform_1, window_bounds = array<i64: 128, 128>}, {transform_indices = @transform_2, window_bounds = array<i64: 512, 128>}, {transform_indices = @transform_3, window_bounds = array<i64: 512, 128>}]} {
    %get3A = arith.constant 0 : index
    %get3A_0 = arith.constant 0 : index
    %get3A_1 = vector.load %arg1[%get3A, %get3A_0] : memref<512x128xf32, #tpu.memory_space<vmem>>, vector<512x128xf32>
    %get3A_2 = arith.constant 0 : index
    %get3A_3 = arith.constant 0 : index
    %get3A_4 = vector.load %arg2[%get3A_2, %get3A_3] : memref<128x128xf32, #tpu.memory_space<vmem>>, vector<128x128xf32>
    %dot_general3A = arith.constant dense<0.000000e+00> : vector<512x128xf32>
    %dot_general3A_5 = tpu.matmul %get3A_1, %get3A_4, %dot_general3A {dimension_numbers = #tpu.dot_dimension_numbers<[1], [0], [0], [1], [0, 0, 1, 1], [], []>, precision = #tpu.contract_precision<fp32>, transpose_lhs_hint = false} : vector<512x128xf32>, vector<128x128xf32>, vector<512x128xf32> -> vector<512x128xf32>
    %get3A_6 = arith.constant 0 : index
    %get3A_7 = arith.constant 0 : index
    %get3A_8 = vector.load %arg3[%get3A_6, %get3A_7] : memref<512x128xf32, #tpu.memory_space<vmem>>, vector<512x128xf32>
    %mul3A = arith.mulf %dot_general3A_5, %get3A_8 : vector<512x128xf32>
    %swap3A = arith.constant 0 : index
    %swap3A_9 = arith.constant 0 : index
    %swap3A_10 = vector.load %arg4[%swap3A, %swap3A_9] : memref<512x128xf32, #tpu.memory_space<vmem>>, vector<512x128xf32>
    tpu.vector_store %arg4[%swap3A, %swap3A_9], %mul3A {strides = array<i32>} : memref<512x128xf32, #tpu.memory_space<vmem>>, vector<512x128xf32>,
    return
  }
  func.func @transform_0(%arg0: i32) -> (i32, i32) {
    %c0_i32 = arith.constant 0 : i32
    %c0_i32_0 = arith.constant 0 : i32
    return %arg0, %c0_i32 : i32, i32
  }
  func.func @transform_1(%arg0: i32) -> (i32, i32) {
    %c0_i32 = arith.constant 0 : i32
    %c0_i32_0 = arith.constant 0 : i32
    %c0_i32_1 = arith.constant 0 : i32
    return %c0_i32, %c0_i32_0 : i32, i32
  }
  func.func @transform_2(%arg0: i32) -> (i32, i32) {
    %c0_i32 = arith.constant 0 : i32
    %c0_i32_0 = arith.constant 0 : i32
    return %arg0, %c0_i32 : i32, i32
  }
  func.func @transform_3(%arg0: i32) -> (i32, i32) {
    %c0_i32 = arith.constant 0 : i32
    %c0_i32_0 = arith.constant 0 : i32
    return %arg0, %c0_i32 : i32, i32
  }
}

module attributes {stable_mosaic.version = 14 : i64} {
  func.func @_fin_body(%arg0: i32, %arg1: memref<512x128xf32, #tpu.memory_space<vmem>>, %arg2: memref<512x128xf32, #tpu.memory_space<vmem>>, %arg3: memref<512x128xf32, #tpu.memory_space<vmem>>, %arg4: memref<512x128xf32, #tpu.memory_space<vmem>>, %arg5: memref<1x128xf32, #tpu.memory_space<vmem>>, %arg6: memref<512x128xf32, #tpu.memory_space<vmem>>) attributes {dimension_semantics = [#tpu.dimension_semantics<arbitrary>], iteration_bounds = array<i64: 20>, scalar_prefetch = 0 : i64, scratch_operands = 0 : i64, tpu.core_type = #tpu.core_type<tc>, window_params = [{transform_indices = @transform_0, window_bounds = array<i64: 512, 128>}, {transform_indices = @transform_1, window_bounds = array<i64: 512, 128>}, {transform_indices = @transform_2, window_bounds = array<i64: 512, 128>}, {transform_indices = @transform_3, window_bounds = array<i64: 512, 128>}, {pipeline_mode = #tpu.pipeline_mode<synchronous>, transform_indices = @transform_4, window_bounds = array<i64: 1, 128>}, {transform_indices = @transform_5, window_bounds = array<i64: 512, 128>}]} {
    %get3A = arith.constant 0 : index
    %get3A_0 = arith.constant 0 : index
    %get3A_1 = vector.load %arg1[%get3A, %get3A_0] : memref<512x128xf32, #tpu.memory_space<vmem>>, vector<512x128xf32>
    %get3A_2 = arith.constant 0 : index
    %get3A_3 = arith.constant 0 : index
    %get3A_4 = vector.load %arg2[%get3A_2, %get3A_3] : memref<512x128xf32, #tpu.memory_space<vmem>>, vector<512x128xf32>
    %add3A = arith.addf %get3A_1, %get3A_4 : vector<512x128xf32>
    %get3A_5 = arith.constant 0 : index
    %get3A_6 = arith.constant 0 : index
    %get3A_7 = vector.load %arg3[%get3A_5, %get3A_6] : memref<512x128xf32, #tpu.memory_space<vmem>>, vector<512x128xf32>
    %sub3A = arith.subf %add3A, %get3A_7 : vector<512x128xf32>
    %get3A_8 = arith.constant 0 : index
    %get3A_9 = arith.constant 0 : index
    %get3A_10 = vector.load %arg4[%get3A_8, %get3A_9] : memref<512x128xf32, #tpu.memory_space<vmem>>, vector<512x128xf32>
    %mul3A = arith.mulf %sub3A, %get3A_10 : vector<512x128xf32>
    %get3A_11 = arith.constant 0 : index
    %get3A_12 = arith.constant 0 : index
    %get3A_13 = vector.load %arg5[%get3A_11, %get3A_12] : memref<1x128xf32, #tpu.memory_space<vmem>>, vector<1x128xf32>
    %add3A_14 = vector.broadcast %get3A_13 : vector<1x128xf32> to vector<512x128xf32>
    %add3A_15 = arith.addf %mul3A, %add3A_14 : vector<512x128xf32>
    %max3A = arith.constant 0.000000e+00 : f32
    %max3A_16 = vector.broadcast %max3A : f32 to vector<512x128xf32>
    %max3A_17 = arith.maximumf %add3A_15, %max3A_16 : vector<512x128xf32>
    %swap3A = arith.constant 0 : index
    %swap3A_18 = arith.constant 0 : index
    %swap3A_19 = vector.load %arg6[%swap3A, %swap3A_18] : memref<512x128xf32, #tpu.memory_space<vmem>>, vector<512x128xf32>
    tpu.vector_store %arg6[%swap3A, %swap3A_18], %max3A_17 {strides = array<i32>} : memref<512x128xf32, #tpu.memory_space<vmem>>, vector<512x128xf32>,
    return
  }
  func.func @transform_0(%arg0: i32) -> (i32, i32) {
    %c0_i32 = arith.constant 0 : i32
    %c0_i32_0 = arith.constant 0 : i32
    return %arg0, %c0_i32 : i32, i32
  }
  func.func @transform_1(%arg0: i32) -> (i32, i32) {
    %add3A = arith.constant 20 : i32
    %add3A_0 = arith.addi %arg0, %add3A : i32
    %c0_i32 = arith.constant 0 : i32
    %c0_i32_1 = arith.constant 0 : i32
    return %add3A_0, %c0_i32 : i32, i32
  }
  func.func @transform_2(%arg0: i32) -> (i32, i32) {
    %c0_i32 = arith.constant 0 : i32
    %c0_i32_0 = arith.constant 0 : i32
    return %arg0, %c0_i32 : i32, i32
  }
  func.func @transform_3(%arg0: i32) -> (i32, i32) {
    %c0_i32 = arith.constant 0 : i32
    %c0_i32_0 = arith.constant 0 : i32
    return %arg0, %c0_i32 : i32, i32
  }
  func.func @transform_4(%arg0: i32) -> (i32, i32) {
    %c0_i32 = arith.constant 0 : i32
    %c0_i32_0 = arith.constant 0 : i32
    %c0_i32_1 = arith.constant 0 : i32
    return %c0_i32, %c0_i32_0 : i32, i32
  }
  func.func @transform_5(%arg0: i32) -> (i32, i32) {
    %c0_i32 = arith.constant 0 : i32
    %c0_i32_0 = arith.constant 0 : i32
    return %arg0, %c0_i32 : i32, i32
  }
}

module attributes {stable_mosaic.version = 14 : i64} {
  func.func @_fin_body(%arg0: i32, %arg1: memref<512x128xf32, #tpu.memory_space<vmem>>, %arg2: memref<512x128xf32, #tpu.memory_space<vmem>>, %arg3: memref<512x128xf32, #tpu.memory_space<vmem>>, %arg4: memref<512x128xf32, #tpu.memory_space<vmem>>, %arg5: memref<1x128xf32, #tpu.memory_space<vmem>>, %arg6: memref<512x128xf32, #tpu.memory_space<vmem>>) attributes {dimension_semantics = [#tpu.dimension_semantics<arbitrary>], iteration_bounds = array<i64: 20>, scalar_prefetch = 0 : i64, scratch_operands = 0 : i64, tpu.core_type = #tpu.core_type<tc>, window_params = [{transform_indices = @transform_0, window_bounds = array<i64: 512, 128>}, {transform_indices = @transform_1, window_bounds = array<i64: 512, 128>}, {transform_indices = @transform_2, window_bounds = array<i64: 512, 128>}, {transform_indices = @transform_3, window_bounds = array<i64: 512, 128>}, {pipeline_mode = #tpu.pipeline_mode<synchronous>, transform_indices = @transform_4, window_bounds = array<i64: 1, 128>}, {transform_indices = @transform_5, window_bounds = array<i64: 512, 128>}]} {
    %get3A = arith.constant 0 : index
    %get3A_0 = arith.constant 0 : index
    %get3A_1 = vector.load %arg1[%get3A, %get3A_0] : memref<512x128xf32, #tpu.memory_space<vmem>>, vector<512x128xf32>
    %get3A_2 = arith.constant 0 : index
    %get3A_3 = arith.constant 0 : index
    %get3A_4 = vector.load %arg2[%get3A_2, %get3A_3] : memref<512x128xf32, #tpu.memory_space<vmem>>, vector<512x128xf32>
    %add3A = arith.addf %get3A_1, %get3A_4 : vector<512x128xf32>
    %get3A_5 = arith.constant 0 : index
    %get3A_6 = arith.constant 0 : index
    %get3A_7 = vector.load %arg3[%get3A_5, %get3A_6] : memref<512x128xf32, #tpu.memory_space<vmem>>, vector<512x128xf32>
    %sub3A = arith.subf %add3A, %get3A_7 : vector<512x128xf32>
    %get3A_8 = arith.constant 0 : index
    %get3A_9 = arith.constant 0 : index
    %get3A_10 = vector.load %arg4[%get3A_8, %get3A_9] : memref<512x128xf32, #tpu.memory_space<vmem>>, vector<512x128xf32>
    %mul3A = arith.mulf %sub3A, %get3A_10 : vector<512x128xf32>
    %get3A_11 = arith.constant 0 : index
    %get3A_12 = arith.constant 0 : index
    %get3A_13 = vector.load %arg5[%get3A_11, %get3A_12] : memref<1x128xf32, #tpu.memory_space<vmem>>, vector<1x128xf32>
    %add3A_14 = vector.broadcast %get3A_13 : vector<1x128xf32> to vector<512x128xf32>
    %add3A_15 = arith.addf %mul3A, %add3A_14 : vector<512x128xf32>
    %swap3A = arith.constant 0 : index
    %swap3A_16 = arith.constant 0 : index
    %swap3A_17 = vector.load %arg6[%swap3A, %swap3A_16] : memref<512x128xf32, #tpu.memory_space<vmem>>, vector<512x128xf32>
    tpu.vector_store %arg6[%swap3A, %swap3A_16], %add3A_15 {strides = array<i32>} : memref<512x128xf32, #tpu.memory_space<vmem>>, vector<512x128xf32>,
    return
  }
  func.func @transform_0(%arg0: i32) -> (i32, i32) {
    %c0_i32 = arith.constant 0 : i32
    %c0_i32_0 = arith.constant 0 : i32
    return %arg0, %c0_i32 : i32, i32
  }
  func.func @transform_1(%arg0: i32) -> (i32, i32) {
    %add3A = arith.constant 20 : i32
    %add3A_0 = arith.addi %arg0, %add3A : i32
    %c0_i32 = arith.constant 0 : i32
    %c0_i32_1 = arith.constant 0 : i32
    return %add3A_0, %c0_i32 : i32, i32
  }
  func.func @transform_2(%arg0: i32) -> (i32, i32) {
    %c0_i32 = arith.constant 0 : i32
    %c0_i32_0 = arith.constant 0 : i32
    return %arg0, %c0_i32 : i32, i32
  }
  func.func @transform_3(%arg0: i32) -> (i32, i32) {
    %c0_i32 = arith.constant 0 : i32
    %c0_i32_0 = arith.constant 0 : i32
    return %arg0, %c0_i32 : i32, i32
  }
  func.func @transform_4(%arg0: i32) -> (i32, i32) {
    %c0_i32 = arith.constant 0 : i32
    %c0_i32_0 = arith.constant 0 : i32
    %c0_i32_1 = arith.constant 0 : i32
    return %c0_i32, %c0_i32_0 : i32, i32
  }
  func.func @transform_5(%arg0: i32) -> (i32, i32) {
    %c0_i32 = arith.constant 0 : i32
    %c0_i32_0 = arith.constant 0 : i32
    return %arg0, %c0_i32 : i32, i32
  }
}

</mosaic_0001>

<sc_bundles>
// kernel: kernel.10.cloned.1.call-start
scs
__scs_entry_jumppad:
0x0: {  	(pc) =	sbr.rel $0x88, $3  }
0x1: {  	(tag) =	ssettag $0x0;
	lr =	simm.s32 $0x1  }
0x2: {  	[smem:$0x3F9B] =	sst lr;
	_ =	strace $0xD0000000  }
0x3: {  	_ = 	snop  }
0x4: {  	_ = 	snop  }
0x5: {  	_ = 	snop  }
0x6: {  	_ = 	snop  }
0x7: {  	_ = 	snop  }
__scs_overlays_trampoline_lowered:
0x8: {  	[smem:$0x3FAA] =	sst s0  }
0x9: {  	[smem:$0x3FAB] =	sst s1  }
0xa: {  	[smem:$0x3FAC] =	sst s2  }
0xb: {  	[smem:$0x3FAD] =	sst s3  }
0xc: {  	[smem:$0x3FAE] =	sst s4  }
0xd: {  	[smem:$0x3FAF] =	sst s5  }
0xe: {  	[smem:$0x3FB0] =	sst s6  }
0xf: {  	[smem:$0x3FB1] =	sst s7  }
0x10: {  	[smem:$0x3FB2] =	sst s8  }
0x11: {  	[smem:$0x3FB3] =	sst s9;
	s0 =	simm.s32 @!p0 $0x0  }
0x12: {  	s1 =	sld [smem:$0x3F99];
	s0 =	simm.s32 @p0 $0x1  }
0x13: {  	[smem:$0x3FB4] =	sst s0;
	s0 =	simm.s32 @!p1 $0x0  }
0x14: {  	s2 =	sld [smem:$0x3F98];
	s0 =	simm.s32 @p1 $0x1  }
0x15: {  	[smem:$0x3FB5] =	sst s0;
	s0 =	simm.s32 @!p2 $0x0  }
0x16: {  	s3 =	sld [smem:$0x3FDB];
	s0 =	simm.s32 @p2 $0x1  }
0x17: {  	s4 =	simm.s32 $0x1BF5;
	[smem:$0x3FB7] =	sst s0  }
0x18: {  	s0 =	sld [smem:$0x3F9A];
	_ =	swait.ge [sflag:s4], $0x0  }
0x19: {  	s7 =	sld [smem:$0x3F9B]  }
0x1a: {  	s8 =	sadd.s32 $0xFFFFE003, lr  }
0x1b: {  	s9 =	sadd.s32 $0xFFFFFEF7, lr;
	s5 =	simm.s32 $0xFFFFFFFF;
	p2 =	slt.u32 s8, $0xFFFFF086  }
0x1c: {  	p1 =	slt.u32 s9, $0xF7A;
	s5 =	simm.s32 @!p2 $0x0  }
0x1d: {  	s5 =	simm.s32 @p1 $0x1;
	p0 =	seq.s32 s7, s2  }
0x1e: {  	s7 =	smul.u32 @!p0 $0xF7A, s2;
	p2 =	seq.s32 @!p0 s5, $0x0  }
0x1f: {  	s9 =	smul.u32 $0xF7A, s1;
	s8 =	simm.s32 @!p0 $0x1BF5;
	p2 =	por !p2, p0  }
0x20: {  	[sflag:s8] =	ssyncset.s32 @!p0 $0xFFFFF086;
	s6 =	sadd.s32 @!p0 s3, s7;
	s7 =	simm.s32 @!p0 $0x108  }
0x21: {  	s3 =	sadd.s32 s3, s9;
	s6 =	sadd.s32 @!p0 $0x88, s6;
	s7 =	simm.s32 @p2 $0x1082  }
0x22: {  	[simem:s7], [sflag:s8] =	dma.local @!p0 [hbm:s6], $0xF7A  }
0x23: {  	s9 =	sor.u32 $0xD0000000, s2;
	s6 =	simm.s32 $0x108;
	_ =	swait.ge @!p0 [sflag:s8], $0x0  }
0x24: {  	s3 =	sadd.s32 $0x88, s3;
	s6 =	simm.s32 @!p1 $0x1082;
	[sflag:s4] =	ssyncset.s32 $0xFFFFF086  }
0x25: {  	[simem:s6], [sflag:s4] =	dma.local [hbm:s3], $0xF7A  }
0x26: {  	[smem:$0x3F9B] =	sst s1;
	(tag) =	ssettag s2;
	_ =	strace s9  }
0x27: {  	s1 =	sld [smem:$0x3FAB]  }
0x28: {  	s2 =	sld [smem:$0x3FAC]  }
0x29: {  	s4 =	sld [smem:$0x3FAE]  }
0x2a: {  	p0 =	seq.s32 s5, $0x0;
	s5 =	sld [smem:$0x3FAF]  }
0x2b: {  	s6 =	sld [smem:$0x3FB0]  }
0x2c: {  	s7 =	sld [smem:$0x3FB1]  }
0x2d: {  	s3 =	simm.s32 $0x108;
	s8 =	sld [smem:$0x3FB2]  }
0x2e: {  	s3 =	simm.s32 @!p0 $0x1082;
	s9 =	sld [smem:$0x3FB3]  }
0x2f: {  	lr =	sadd.s32 s0, s3;
	s0 =	sld [smem:$0x3FAA]  }
0x30: {  	s3 =	sld [smem:$0x3FAD]  }
0x31: {  	[smem:$0x3FB6] =	sst s10  }
0x32: {  	s10 =	sld [smem:$0x3FB4];
	_ =	sdelay $0x3  }
0x33: {  	p0 =	seq.s32 s10, $0x1;
	s10 =	sld [smem:$0x3FB6];
	_ =	sdelay $0x3  }
0x34: {  	[smem:$0x3FB6] =	sst s10  }
0x35: {  	s10 =	sld [smem:$0x3FB5];
	_ =	sdelay $0x3  }
0x36: {  	p1 =	seq.s32 s10, $0x1;
	s10 =	sld [smem:$0x3FB6];
	_ =	sdelay $0x3  }
0x37: {  	[smem:$0x3FB6] =	sst s10  }
0x38: {  	s10 =	sld [smem:$0x3FB7]  }
0x39: {  	_ = 	snop;
	(pc) =	sbr.ind lr, $3  }
0x3a: {  	_ = 	snop  }
0x3b: {  	_ = 	snop  }
0x3c: {  	p2 =	seq.s32 s10, $0x1;
	s10 =	sld [smem:$0x3FB6]  }
0x3d: {  	_ =	shalt  }
0x3e: {  	_ =	shalt  }
0x3f: {  	_ =	shalt  }
0x40: {  	_ =	shalt  }
0x41: {  	_ =	shalt  }
0x42: {  	_ =	shalt  }
0x43: {  	_ =	shalt  }
0x44: {  	_ =	shalt  }
0x45: {  	_ =	shalt  }
0x46: {  	_ =	shalt  }
0x47: {  	_ =	shalt  }
0x48: {  	_ =	shalt  }
0x49: {  	_ =	shalt  }
0x4a: {  	_ =	shalt  }
0x4b: {  	_ =	shalt  }
0x4c: {  	_ =	shalt  }
0x4d: {  	_ =	shalt  }
0x4e: {  	_ =	shalt  }
0x4f: {  	_ =	shalt  }
0x50: {  	_ =	shalt  }
0x51: {  	_ =	shalt  }
0x52: {  	_ =	shalt  }
0x53: {  	_ =	shalt  }
0x54: {  	_ =	shalt  }
0x55: {  	_ =	shalt  }
0x56: {  	_ =	shalt  }
0x57: {  	_ =	shalt  }
0x58: {  	_ =	shalt  }
0x59: {  	_ =	shalt  }
0x5a: {  	_ =	shalt  }
0x5b: {  	_ =	shalt  }
0x5c: {  	_ =	shalt  }
0x5d: {  	_ =	shalt  }
0x5e: {  	_ =	shalt  }
0x5f: {  	_ =	shalt  }
0x60: {  	_ =	shalt  }
0x61: {  	_ =	shalt  }
0x62: {  	_ =	shalt  }
0x63: {  	_ =	shalt  }
0x64: {  	_ =	shalt  }
0x65: {  	_ =	shalt  }
0x66: {  	_ =	shalt  }
0x67: {  	_ =	shalt  }
0x68: {  	_ =	shalt  }
0x69: {  	_ =	shalt  }
0x6a: {  	_ =	shalt  }
0x6b: {  	_ =	shalt  }
0x6c: {  	_ =	shalt  }
0x6d: {  	_ =	shalt  }
0x6e: {  	_ =	shalt  }
0x6f: {  	_ =	shalt  }
0x70: {  	_ =	shalt  }
0x71: {  	_ =	shalt  }
0x72: {  	_ =	shalt  }
0x73: {  	_ =	shalt  }
0x74: {  	_ =	shalt  }
0x75: {  	_ =	shalt  }
0x76: {  	_ =	shalt  }
0x77: {  	_ =	shalt  }
0x78: {  	_ =	shalt  }
0x79: {  	_ =	shalt  }
0x7a: {  	_ =	shalt  }
0x7b: {  	_ =	shalt  }
0x7c: {  	_ =	shalt  }
0x7d: {  	_ =	shalt  }
0x7e: {  	_ =	shalt  }
0x7f: {  	_ =	shalt  }
0x80: {  	_ =	shalt  }
0x81: {  	_ =	shalt  }
0x82: {  	_ =	shalt  }
0x83: {  	_ =	shalt  }
0x84: {  	_ =	shalt  }
0x85: {  	_ =	shalt  }
0x86: {  	_ =	shalt  }
0x87: {  	_ =	shalt  }
.Lfunc_end0:
.L_simem_size_0:
called_computation_lowered:
.L_overlay_start_0:
0x88: {  	s2 =	sld [smem:$0x3FD9]  }
0x89: {  	s3 =	sld [smem:$0x3FFE];
	_ =	sdelay $0x1  }
0x8a: {  	s1 =	srdreg.scid  }
0x8b: {  	s0 =	sand.u32 $0x1, s1  }
0x8c: {  	s16 =	sshll.u32 s0, $0xA;
	s2 =	sadd.s32 s3, s2  }
0x8d: {  	s2 =	sadd.s32 s2, s16  }
0x8e: {  	[smem:$0x3FC2] =	sst s2  }
0x8f: {  	_ = 	snop  }
0x90: {  	(tm) =	ssettm $0x1  }
0x91: {  	s17 =	sld [smem:$0x3FFB];
	_ =	sdelay $0x3  }
0x92: {  	_ =	strace s17  }
0x93: {  	s2 =	sld [smem:$0x3FFC];
	_ =	sdelay $0x3  }
0x94: {  	_ =	strace s2  }
0x95: {  	s2 =	sld [smem:$0x3FFD];
	_ =	sdelay $0x3  }
0x96: {  	_ =	strace s2  }
0x97: {  	_ =	strace $0x8FFFFFFF  }
0x98: {  	s18 =	sld [smem:$0x3FDB];
	_ =	sdelay $0x1  }
0x99: {  	s19 =	simm.s32 $_scs_section_size  }
0x9a: {  	s4 =	simm.s32 $_size__tile_overlayer_lowered;
	s5 =	simm.s32 $_tile_overlayer_lowered  }
0x9b: {  	s22 =	simm.s32 $0x1BFF;
	s21 =	sshll.u32 s5, $0x1;
	s2 =	sadd.s32 s19, s18  }
0x9c: {  	s6 =	simm.s32 $0x0;
	s20 =	sshll.u32 s4, $0x1;
	s4 =	sadd.s32 s21, s2  }
0x9d: {  	[timem:s6], [sflag:s22] =	dma.local [hbm:s4], s20  }
0x9e: {  	_ =	swait.ge [sflag:s22], s20  }
0x9f: {  	s3 =	ssub.s32 $0x0, s20;
	[sflag:s22] =	ssyncset.done $0x0  }
0xa0: {  	[sflag:s22] =	ssyncadd.s32 s3;
	_ =	sdelay $0x1  }
0xa1: {  	s23 =	simm.s32 $0x1B8B  }
0xa2: {  	_ =	swait.ge [sflag:s23], $0x1  }
0xa3: {  	[sflag:s23] =	ssyncset.done $0x0  }
0xa4: {  	s25 =	simm.s32 $0x1B8E;
	s24 =	sld [smem:$0x3FFE];
	[sflag:s23] =	ssyncadd.s32 $0xFFFFFFFF  }
0xa5: {  	s26 =	simm.s32 $execute0_lowered;
	[smem:$0x3FD2] =	sst s25  }
0xa6: {  	s4 =	sshll.u32 s26, $0x1;
	_ =	strace $0x80000046;
	[dreg:$0x1] =	wrdreg $0xFFFFFFFF  }
0xa7: {  	s28 =	simm.s32 $_size_execute0_lowered;
	s2 =	sadd.s32 s2, s4;
	[dreg:$0x0] =	wrdreg $0x0  }
0xa8: {  	s4 =	sshll.u32 s28, $0x1;
	[dreg:$0x2] =	wrdreg s2  }
0xa9: {  	[dreg:$0x3] =	wrdreg s4  }
0xaa: {  	[dreg:$0x4] =	wrdreg $0xC0  }
0xab: {  	_ =	task [dreg:s6], $0x5FFFF  }
0xac: {  	[dreg:$0x1] =	wrdreg $0xFFFFFFFF  }
0xad: {  	[dreg:$0x0] =	wrdreg $0x60  }
0xae: {  	[dreg:$0x2] =	wrdreg s24  }
0xaf: {  	[dreg:$0x3] =	wrdreg $0x9  }
0xb0: {  	_ =	task.clear_ibuf [dreg:s6], $0x4FFFF;
	_ =	strace $0x90000046  }
0xb1: {  	s29 =	simm.s32 $0x9;
	_ =	strace $0x80000048  }
0xb2: {  	_ =	swait.ge [sflag:s29], $0x1  }
0xb3: {  	[sflag:s29] =	ssyncadd.s32 $0xFFFFFFFF  }
0xb4: {  	_ =	strace $0x90000048  }
0xb5: {  	_ =	sfence  }
0xb6: {  	s30 =	sld [smem:$0x0];
	_ =	sdelay $0x2  }
0xb7: {  	s31 =	sshll.u32 s1, $0xD;
	s1 =	sshrl.u32 s1, $0x2  }
0xb8: {  	s3 =	sand.u32 $0x4000, s31;
	s1 =	sadd.s32 s1, s30  }
0xb9: {  	s0 =	sor.u32 s3, s0;
	s1 =	sshll.u32 s1, $0x11  }
0xba: {  	s0 =	sor.u32 s1, s0  }
0xbb: {  	s0 =	sadd.s32 $0x8F2B, s0  }
0xbc: {  	[sflag:s0] =	ssyncadd.remote.s32 $0x1  }
0xbd: {  	_ =	sfence.sel $0xFFFF  }
0xbe: {  	[dreg:$0x0] =	wrdreg $0xFFFFFFFF;
	(pc) =	sbr.abs _section_cstart, $3  }
0xbf: {  	[dreg:$0x1] =	wrdreg $0xFFFFFFFF  }
0xc0: {  	_ =	task.clear_ibuf [dreg:s6], $0x2FFFF;
	_ =	strace $0x9FFFFFFF  }
0xc1: {  	(tm) =	ssettm $0x7FFFFFFF  }
tec
execute0_lowered:
.L_overlay_start_1:
0x0: {  	(tag) =	ssettag $0x1  }
0x1: {  	s0 =	srdreg.scid  }
0x2: {  	s5 =	rddreg [dreg:$0x0];
	s3 =	sand.u32 $0x1, s0  }
0x3: {  	s2 =	simm.s32 $0x0;
	s0 =	stileid.u32;
	s1 =	sshll.u32 s3, $0x4  }
0x4: {  	s8 =	simm.s32 $0x1;
	s9 =	simm.s32 $0x2800;
	s4 =	sor.u32 s0, s1  }
0x5: {  	s10 =	simm.s32 $0x0;
	s1 =	sshrl.u32 s4, $0x3;
	s4 =	smul.u32 $0x500, s4  }
0x6: {  	s7 =	sshll.u32 s0, $0x7;
	s3 =	ssub.s32 $0x2, s3;
	s6 =	smul.u32 $0x14000, s1  }
0x7: {  	[smem:$0x7FF] =	sst s2;
	s7 =	sand.u32 $0x380, s7;
	s31 =	sshrl.u32 s3, $0x1  }
0x8: {  	s1 =	rddreg [dreg:$0x1];
	s4 =	sadd.s32 s4, s5;
	s6 =	sor.u32 s7, s6  }
0x9: {  	_ =	strace $0x80000047;
	s4 =	sadd.s32 $0xBC00, s4;
	s6 =	sshrl.u32 s6, $0x3  }
0xa: {  	s7 =	simm.s32 $0x400;
	s6 =	sadd.s32 s6, s5;
	s5 =	ssub.s32 s3, s31  }
0xb: {  	v0 =	vimm.f32 $0.0e+00;
	v1 =	vimm.f32 $1.000000000e+00;
	s3 =	sadd.s32 $0x1C00, s6;
	s5 =	smax.u32 s5, $0x1;
	s6 =	simm.s32 $0x80  }
.LBB2_1:
0xc: {  	[tilespmem:s2], [sflag:$0x1] =	stream.strided.gather [hbm4b:s3+s6], $0x2800, s7, s6, $0x38;
	[tilespmem:$0x5000] =	vst v63  }
0xd: {  	_ =	swait.ge [sflag:s8], $0x2800  }
0xe: {  	[sflag:s8] =	ssyncset.done $0x0  }
0xf: {  	s11 =	simm.s32 $0x0;
	[sflag:s8] =	ssyncadd.s32 $0xFFFFD800  }
.LBB2_2:
0x10: {  	p0 =	sne.s32 s11, $0x9FC0  }
.Ltmp0:
0x11: {  	_ = 	snop;
	(pc) =	sbr.rel @p0 .LBB2_2-.Ltmp0, $3  }
0x12: {  	_ =	sdelay $0x1  }
0x13: {  	s12 =	sshra.s32 s11, $0x2  }
0x14: {  	s11 =	sadd.s32 $0x40, s11;
	[tilespmem:s12+$0x2800] =	vst v0  }
0x15: {  	s12 =	simm.s32 $0x0;
	s11 =	simm.s32 $0x40  }
.LBB2_4:
0x16: {  	p0 =	sne.s32 s11, $0x9FC0;
	v2 =	vld [tilespmem:s12+$0x0];
	_ =	sdelay $0x3  }
.Ltmp1:
0x17: {  	(pc) =	sbr.rel @p0 .LBB2_4-.Ltmp1, $2  }
0x18: {  	_ =	sdelay $0x2  }
0x19: {  	s12 =	sshra.s32 s11, $0x2;
	s11 =	sadd.s32 $0x40, s11;
	[tilespmem:v2+s9+$0x0] =	vst.idx.add.f32.msk $0xffff, v1  }
0x1a: {  	v2 =	vld [tilespmem:s12+$0x0];
	_ =	sdelay $0x5  }
0x1b: {  	s10 =	sadd.s32 $0x1, s10  }
0x1c: {  	p0 =	sne.s32 s10, s5  }
.Ltmp2:
0x1d: {  	[tilespmem:v2+s9+$0x0] =	vst.idx.add.f32.msk $0xffff, v1;
	(pc) =	sbr.rel @p0 .LBB2_1-.Ltmp2, $4  }
0x1e: {  	[hbm4b:s4+s2] =	stream.linear.scatter [tilespmem:s9], [sflag:$0x1], $0x2800, $0x38;
	[tilespmem:$0x5000] =	vst v63  }
0x1f: {  	_ =	swait.ge [sflag:s8], $0x2800  }
0x20: {  	[sflag:s8] =	ssyncset.done $0x0  }
0x21: {  	[sflag:s8] =	ssyncadd.s32 $0xFFFFD800  }
0x22: {  	_ =	sfence.sel $0x180000  }
0x23: {  	[bflag:$0x0] =	sbarrier.arrive $0xFFFF  }
0x24: {  	p0 =	sne.s32 s0, $0x0;
	_ =	strace $0x90000047  }
0x25: {  	s0 =	sadd.s32 @!p0 $0x100000, s1;
	[bflag:$0x2] =	sbarrier.arrive $0xFFFF  }
0x26: {  	[sflag:s0] =	ssyncadd.tile.s32 @!p0 $0x1;
	_ =	shalt  }
.Lfunc_end2:
_tile_overlayer_lowered:
.L_overlay_start_2:
0x27: {  	(tag) =	ssettag $0x2  }
0x28: {  	s0 =	rddreg [dreg:$0x0];
	s2 =	stileid.u32  }
0x29: {  	s1 =	rddreg [dreg:$0x1];
	p0 =	sne.s32 s2, $0x0  }
0x2a: {  	s3 =	rddreg [dreg:$0x2];
	[bflag:$0x3] =	sbarrier.arrive $0xFFFF;
	s2 =	simm.s32 @!p0 $0x1C01  }
0x2b: {  	[timem:s3], [sflag:s2] =	dma.local @!p0 [hbm:s0], s1  }
0x2c: {  	s0 =	simm.s32 @!p0 $0x1  }
0x2d: {  	_ =	swait.ge @!p0 [sflag:s0], s1  }
0x2e: {  	s1 =	ssub.s32 @!p0 $0x0, s1;
	[sflag:s0] =	ssyncset.done @!p0 $0x0  }
0x2f: {  	[sflag:s0] =	ssyncadd.s32 @!p0 s1  }
0x30: {  	[bflag:$0x3] =	sbarrier.arrive $0xFFFF  }
0x31: {  	_ =	shalt  }

// kernel: kernel.13.cloned.1.call-start
scs
__scs_entry_jumppad:
0x0: {  	(pc) =	sbr.rel $0x88, $3  }
0x1: {  	(tag) =	ssettag $0x0;
	lr =	simm.s32 $0x1  }
0x2: {  	[smem:$0x3F9B] =	sst lr;
	_ =	strace $0xD0000000  }
0x3: {  	_ = 	snop  }
0x4: {  	_ = 	snop  }
0x5: {  	_ = 	snop  }
0x6: {  	_ = 	snop  }
0x7: {  	_ = 	snop  }
__scs_overlays_trampoline_lowered:
0x8: {  	[smem:$0x3FAA] =	sst s0  }
0x9: {  	[smem:$0x3FAB] =	sst s1  }
0xa: {  	[smem:$0x3FAC] =	sst s2  }
0xb: {  	[smem:$0x3FAD] =	sst s3  }
0xc: {  	[smem:$0x3FAE] =	sst s4  }
0xd: {  	[smem:$0x3FAF] =	sst s5  }
0xe: {  	[smem:$0x3FB0] =	sst s6  }
0xf: {  	[smem:$0x3FB1] =	sst s7  }
0x10: {  	[smem:$0x3FB2] =	sst s8  }
0x11: {  	[smem:$0x3FB3] =	sst s9;
	s0 =	simm.s32 @!p0 $0x0  }
0x12: {  	s1 =	sld [smem:$0x3F99];
	s0 =	simm.s32 @p0 $0x1  }
0x13: {  	[smem:$0x3FB4] =	sst s0;
	s0 =	simm.s32 @!p1 $0x0  }
0x14: {  	s2 =	sld [smem:$0x3F98];
	s0 =	simm.s32 @p1 $0x1  }
0x15: {  	[smem:$0x3FB5] =	sst s0;
	s0 =	simm.s32 @!p2 $0x0  }
0x16: {  	s3 =	sld [smem:$0x3FDB];
	s0 =	simm.s32 @p2 $0x1  }
0x17: {  	s4 =	simm.s32 $0x1BF5;
	[smem:$0x3FB7] =	sst s0  }
0x18: {  	s0 =	sld [smem:$0x3F9A];
	_ =	swait.ge [sflag:s4], $0x0  }
0x19: {  	s7 =	sld [smem:$0x3F9B]  }
0x1a: {  	s8 =	sadd.s32 $0xFFFFE003, lr  }
0x1b: {  	s9 =	sadd.s32 $0xFFFFFEF7, lr;
	s5 =	simm.s32 $0xFFFFFFFF;
	p2 =	slt.u32 s8, $0xFFFFF086  }
0x1c: {  	p1 =	slt.u32 s9, $0xF7A;
	s5 =	simm.s32 @!p2 $0x0  }
0x1d: {  	s5 =	simm.s32 @p1 $0x1;
	p0 =	seq.s32 s7, s2  }
0x1e: {  	s7 =	smul.u32 @!p0 $0xF7A, s2;
	p2 =	seq.s32 @!p0 s5, $0x0  }
0x1f: {  	s9 =	smul.u32 $0xF7A, s1;
	s8 =	simm.s32 @!p0 $0x1BF5;
	p2 =	por !p2, p0  }
0x20: {  	[sflag:s8] =	ssyncset.s32 @!p0 $0xFFFFF086;
	s6 =	sadd.s32 @!p0 s3, s7;
	s7 =	simm.s32 @!p0 $0x108  }
0x21: {  	s3 =	sadd.s32 s3, s9;
	s6 =	sadd.s32 @!p0 $0x88, s6;
	s7 =	simm.s32 @p2 $0x1082  }
0x22: {  	[simem:s7], [sflag:s8] =	dma.local @!p0 [hbm:s6], $0xF7A  }
0x23: {  	s9 =	sor.u32 $0xD0000000, s2;
	s6 =	simm.s32 $0x108;
	_ =	swait.ge @!p0 [sflag:s8], $0x0  }
0x24: {  	s3 =	sadd.s32 $0x88, s3;
	s6 =	simm.s32 @!p1 $0x1082;
	[sflag:s4] =	ssyncset.s32 $0xFFFFF086  }
0x25: {  	[simem:s6], [sflag:s4] =	dma.local [hbm:s3], $0xF7A  }
0x26: {  	[smem:$0x3F9B] =	sst s1;
	(tag) =	ssettag s2;
	_ =	strace s9  }
0x27: {  	s1 =	sld [smem:$0x3FAB]  }
0x28: {  	s2 =	sld [smem:$0x3FAC]  }
0x29: {  	s4 =	sld [smem:$0x3FAE]  }
0x2a: {  	p0 =	seq.s32 s5, $0x0;
	s5 =	sld [smem:$0x3FAF]  }
0x2b: {  	s6 =	sld [smem:$0x3FB0]  }
0x2c: {  	s7 =	sld [smem:$0x3FB1]  }
0x2d: {  	s3 =	simm.s32 $0x108;
	s8 =	sld [smem:$0x3FB2]  }
0x2e: {  	s3 =	simm.s32 @!p0 $0x1082;
	s9 =	sld [smem:$0x3FB3]  }
0x2f: {  	lr =	sadd.s32 s0, s3;
	s0 =	sld [smem:$0x3FAA]  }
0x30: {  	s3 =	sld [smem:$0x3FAD]  }
0x31: {  	[smem:$0x3FB6] =	sst s10  }
0x32: {  	s10 =	sld [smem:$0x3FB4];
	_ =	sdelay $0x3  }
0x33: {  	p0 =	seq.s32 s10, $0x1;
	s10 =	sld [smem:$0x3FB6];
	_ =	sdelay $0x3  }
0x34: {  	[smem:$0x3FB6] =	sst s10  }
0x35: {  	s10 =	sld [smem:$0x3FB5];
	_ =	sdelay $0x3  }
0x36: {  	p1 =	seq.s32 s10, $0x1;
	s10 =	sld [smem:$0x3FB6];
	_ =	sdelay $0x3  }
0x37: {  	[smem:$0x3FB6] =	sst s10  }
0x38: {  	s10 =	sld [smem:$0x3FB7]  }
0x39: {  	_ = 	snop;
	(pc) =	sbr.ind lr, $3  }
0x3a: {  	_ = 	snop  }
0x3b: {  	_ = 	snop  }
0x3c: {  	p2 =	seq.s32 s10, $0x1;
	s10 =	sld [smem:$0x3FB6]  }
0x3d: {  	_ =	shalt  }
0x3e: {  	_ =	shalt  }
0x3f: {  	_ =	shalt  }
0x40: {  	_ =	shalt  }
0x41: {  	_ =	shalt  }
0x42: {  	_ =	shalt  }
0x43: {  	_ =	shalt  }
0x44: {  	_ =	shalt  }
0x45: {  	_ =	shalt  }
0x46: {  	_ =	shalt  }
0x47: {  	_ =	shalt  }
0x48: {  	_ =	shalt  }
0x49: {  	_ =	shalt  }
0x4a: {  	_ =	shalt  }
0x4b: {  	_ =	shalt  }
0x4c: {  	_ =	shalt  }
0x4d: {  	_ =	shalt  }
0x4e: {  	_ =	shalt  }
0x4f: {  	_ =	shalt  }
0x50: {  	_ =	shalt  }
0x51: {  	_ =	shalt  }
0x52: {  	_ =	shalt  }
0x53: {  	_ =	shalt  }
0x54: {  	_ =	shalt  }
0x55: {  	_ =	shalt  }
0x56: {  	_ =	shalt  }
0x57: {  	_ =	shalt  }
0x58: {  	_ =	shalt  }
0x59: {  	_ =	shalt  }
0x5a: {  	_ =	shalt  }
0x5b: {  	_ =	shalt  }
0x5c: {  	_ =	shalt  }
0x5d: {  	_ =	shalt  }
0x5e: {  	_ =	shalt  }
0x5f: {  	_ =	shalt  }
0x60: {  	_ =	shalt  }
0x61: {  	_ =	shalt  }
0x62: {  	_ =	shalt  }
0x63: {  	_ =	shalt  }
0x64: {  	_ =	shalt  }
0x65: {  	_ =	shalt  }
0x66: {  	_ =	shalt  }
0x67: {  	_ =	shalt  }
0x68: {  	_ =	shalt  }
0x69: {  	_ =	shalt  }
0x6a: {  	_ =	shalt  }
0x6b: {  	_ =	shalt  }
0x6c: {  	_ =	shalt  }
0x6d: {  	_ =	shalt  }
0x6e: {  	_ =	shalt  }
0x6f: {  	_ =	shalt  }
0x70: {  	_ =	shalt  }
0x71: {  	_ =	shalt  }
0x72: {  	_ =	shalt  }
0x73: {  	_ =	shalt  }
0x74: {  	_ =	shalt  }
0x75: {  	_ =	shalt  }
0x76: {  	_ =	shalt  }
0x77: {  	_ =	shalt  }
0x78: {  	_ =	shalt  }
0x79: {  	_ =	shalt  }
0x7a: {  	_ =	shalt  }
0x7b: {  	_ =	shalt  }
0x7c: {  	_ =	shalt  }
0x7d: {  	_ =	shalt  }
0x7e: {  	_ =	shalt  }
0x7f: {  	_ =	shalt  }
0x80: {  	_ =	shalt  }
0x81: {  	_ =	shalt  }
0x82: {  	_ =	shalt  }
0x83: {  	_ =	shalt  }
0x84: {  	_ =	shalt  }
0x85: {  	_ =	shalt  }
0x86: {  	_ =	shalt  }
0x87: {  	_ =	shalt  }
.Lfunc_end0:
.L_simem_size_0:
called_computation.1_lowered:
.L_overlay_start_0:
0x88: {  	s2 =	sld [smem:$0x3FD9]  }
0x89: {  	s3 =	sld [smem:$0x3FFE];
	_ =	sdelay $0x1  }
0x8a: {  	s1 =	srdreg.scid  }
0x8b: {  	s0 =	sand.u32 $0x1, s1  }
0x8c: {  	s17 =	sshll.u32 s0, $0xA;
	s2 =	sadd.s32 s3, s2  }
0x8d: {  	s2 =	sadd.s32 s2, s17  }
0x8e: {  	[smem:$0x3FC2] =	sst s2  }
0x8f: {  	_ = 	snop  }
0x90: {  	s2 =	sld [smem:$0x3FD0];
	(tm) =	ssettm $0x1  }
0x91: {  	s18 =	sld [smem:$0x3FFB];
	_ =	sdelay $0x3  }
0x92: {  	_ =	strace s18  }
0x93: {  	s3 =	sld [smem:$0x3FFC];
	_ =	sdelay $0x3  }
0x94: {  	_ =	strace s3  }
0x95: {  	s3 =	sld [smem:$0x3FFD];
	_ =	sdelay $0x3  }
0x96: {  	_ =	strace s3  }
0x97: {  	_ =	strace $0x8FFFFFFF  }
0x98: {  	s19 =	sld [smem:$0x3FDB];
	_ =	sdelay $0x1  }
0x99: {  	s4 =	simm.s32 $_scs_section_size  }
0x9a: {  	s5 =	simm.s32 $_size__tile_overlayer_lowered;
	s6 =	simm.s32 $_tile_overlayer_lowered  }
0x9b: {  	s22 =	simm.s32 $0x1BFF;
	s21 =	sshll.u32 s6, $0x1;
	s3 =	sadd.s32 s4, s19  }
0x9c: {  	s7 =	simm.s32 $0x0;
	s20 =	sshll.u32 s5, $0x1;
	s5 =	sadd.s32 s21, s3  }
0x9d: {  	[timem:s7], [sflag:s22] =	dma.local [hbm:s5], s20  }
0x9e: {  	_ =	swait.ge [sflag:s22], s20  }
0x9f: {  	s4 =	ssub.s32 $0x0, s20;
	[sflag:s22] =	ssyncset.done $0x0  }
0xa0: {  	[sflag:s22] =	ssyncadd.s32 s4;
	_ =	sdelay $0x1  }
0xa1: {  	s23 =	simm.s32 $0x1B8B  }
0xa2: {  	_ =	swait.ge [sflag:s23], $0x1  }
0xa3: {  	[sflag:s23] =	ssyncset.done $0x0  }
0xa4: {  	s25 =	simm.s32 $0x1B8E;
	s24 =	sld [smem:$0x3FFE];
	[sflag:s23] =	ssyncadd.s32 $0xFFFFFFFF  }
0xa5: {  	s26 =	simm.s32 $execute0_lowered;
	[smem:$0x3FD2] =	sst s25  }
0xa6: {  	s5 =	sshll.u32 s26, $0x1;
	_ =	strace $0x80000049;
	[dreg:$0x1] =	wrdreg $0xFFFFFFFF  }
0xa7: {  	s28 =	simm.s32 $_size_execute0_lowered;
	s3 =	sadd.s32 s3, s5;
	[dreg:$0x0] =	wrdreg $0x0  }
0xa8: {  	s5 =	sshll.u32 s28, $0x1;
	[dreg:$0x2] =	wrdreg s3  }
0xa9: {  	[dreg:$0x3] =	wrdreg s5  }
0xaa: {  	[dreg:$0x4] =	wrdreg $0xC0  }
0xab: {  	_ =	task [dreg:s7], $0x5FFFF  }
0xac: {  	[dreg:$0x1] =	wrdreg $0xFFFFFFFF  }
0xad: {  	[dreg:$0x0] =	wrdreg $0x60  }
0xae: {  	[dreg:$0x2] =	wrdreg s24  }
0xaf: {  	[dreg:$0x3] =	wrdreg s2  }
0xb0: {  	[dreg:$0x4] =	wrdreg $0x29000  }
0xb1: {  	[dreg:$0x5] =	wrdreg $0x9  }
0xb2: {  	_ =	task.clear_ibuf [dreg:s7], $0x6FFFF;
	_ =	strace $0x90000049  }
0xb3: {  	s29 =	simm.s32 $0x9;
	_ =	strace $0x8000004B  }
0xb4: {  	_ =	swait.ge [sflag:s29], $0x1  }
0xb5: {  	[sflag:s29] =	ssyncadd.s32 $0xFFFFFFFF  }
0xb6: {  	_ =	strace $0x9000004B  }
0xb7: {  	_ =	sfence  }
0xb8: {  	s30 =	sld [smem:$0x0];
	_ =	sdelay $0x2  }
0xb9: {  	s31 =	sshll.u32 s1, $0xD;
	s1 =	sshrl.u32 s1, $0x2  }
0xba: {  	s3 =	sand.u32 $0x4000, s31;
	s1 =	sadd.s32 s1, s30  }
0xbb: {  	s0 =	sor.u32 s3, s0;
	s1 =	sshll.u32 s1, $0x11  }
0xbc: {  	s0 =	sor.u32 s1, s0  }
0xbd: {  	s0 =	sadd.s32 $0x8F2B, s0  }
0xbe: {  	[sflag:s0] =	ssyncadd.remote.s32 $0x1  }
0xbf: {  	_ =	sfence.sel $0xFFFF  }
0xc0: {  	[dreg:$0x0] =	wrdreg $0xFFFFFFFF;
	(pc) =	sbr.abs _section_cstart, $3  }
0xc1: {  	[dreg:$0x1] =	wrdreg $0xFFFFFFFF  }
0xc2: {  	_ =	task.clear_ibuf [dreg:s7], $0x2FFFF;
	_ =	strace $0x9FFFFFFF  }
0xc3: {  	(tm) =	ssettm $0x7FFFFFFF  }
tec
execute0_lowered:
.L_overlay_start_1:
0x0: {  	(tag) =	ssettag $0x1  }
0x1: {  	s5 =	rddreg [dreg:$0x0]  }
0x2: {  	s7 =	rddreg [dreg:$0x1]  }
0x3: {  	s2 =	rddreg [dreg:$0x2]  }
0x4: {  	s0 =	rddreg [dreg:$0x3]  }
0x5: {  	s4 =	srdreg.scid;
	s1 =	stileid.u32  }
0x6: {  	s3 =	simm.s32 $0x0;
	s14 =	simm.s32 $0x80;
	s8 =	smul.u32 $0x2800, s1  }
0x7: {  	s15 =	simm.s32 $0x0;
	s6 =	sand.u32 $0x1, s4;
	s11 =	smul.u32 $0x50000, s1  }
0x8: {  	[smem:$0x7FF] =	sst s3;
	s31 =	sshll.u32 s1, $0x6;
	s13 =	smul.u32 $0xFA0, s1  }
0x9: {  	s4 =	smul.u32 $0x28000, s6;
	_ =	strace $0x8000004A;
	s10 =	ssub.s32 $0x2, s6  }
0xa: {  	s30 =	smul.u32 $0xFA00, s6;
	s6 =	sor.u32 $0x1C01, s31;
	s28 =	sshrl.u32 s10, $0x1  }
0xb: {  	s29 =	sshrl.u32 s11, $0x2;
	s9 =	sadd.s32 s8, s4;
	s4 =	sadd.s32 $0x1C00, s5  }
0xc: {  	s10 =	ssub.s32 s10, s28;
	s12 =	sadd.s32 s29, s2;
	s11 =	sadd.s32 s30, s7  }
0xd: {  	s9 =	sadd.s32 s9, s5;
	s5 =	sadd.s32 s4, s8;
	s8 =	smax.u32 s10, $0x1  }
0xe: {  	s10 =	sshrl.u32 s12, $0x3;
	s12 =	simm.s32 $0x50;
	s7 =	sadd.s32 $0x29C00, s9  }
0xf: {  	s9 =	sadd.s32 s13, s11;
	s11 =	simm.s32 $0x1;
	s13 =	simm.s32 $0x100  }
.LBB2_1:
0x10: {  	[spmem:s10], [sflag:s6] =	dma.local [hbm:s5], $0x2800  }
0x11: {  	_ =	swait.ge [sflag:s11], $0x2800  }
0x12: {  	[sflag:s11] =	ssyncset.done $0x0  }
0x13: {  	[sflag:s11] =	ssyncadd.s32 $0xFFFFD800  }
0x14: {  	s16 =	sadd.s32 $0x0, s9;
	[bflag:$0x0] =	sbarrier.arrive $0xFFFF  }
0x15: {  	[tilespmem:s3], [sflag:$0x1] =	stream.linear.gather [hbm4b:s16+s3], $0x100, $0x38;
	[tilespmem:$0x16900] =	vst v63  }
0x16: {  	_ =	swait.ge [sflag:s11], $0x100  }
0x17: {  	[sflag:s11] =	ssyncset.done $0x0  }
0x18: {  	[sflag:s11] =	ssyncadd.s32 $0xFFFFFF00  }
0x19: {  	[tilespmem:s13], [sflag:$0x1] =	stream.indirect.gather [hbm4b:s4+s12], $0x80, s3, s12, $0xb8;
	[tilespmem:$0x16900] =	vst v63  }
0x1a: {  	_ =	swait.ge [sflag:s11], $0x2800  }
0x1b: {  	[sflag:s11] =	ssyncset.done $0x0  }
0x1c: {  	[sflag:s11] =	ssyncadd.s32 $0xFFFFD800  }
0x1d: {  	[spmem:s2] =	stream.indirect.scatter.add.f32 [tilespmem:s13], [sflag:$0x1], $0x80, s14, s12, $0xb8;
	[tilespmem:$0x16900] =	vst v63  }
0x1e: {  	_ =	swait.ge [sflag:s11], $0x2800  }
0x1f: {  	s17 =	simm.s32 $0x40;
	s16 =	simm.s32 $0x20;
	[sflag:s11] =	ssyncset.done $0x0  }
.LBB2_2:
0x20: {  	s18 =	sadd.s32 s16, s9  }
0x21: {  	[sflag:s11] =	ssyncadd.s32 $0xFFFFD800;
	s16 =	smov.u32 s17;
	s19 =	sadd.s32 $0x20, s17  }
0x22: {  	[tilespmem:s3], [sflag:$0x1] =	stream.linear.gather [hbm4b:s18+s3], $0x100, $0x38;
	[tilespmem:$0x16900] =	vst v63  }
0x23: {  	p0 =	sne.s32 s17, $0xF80;
	_ =	swait.ge [sflag:s11], $0x100  }
0x24: {  	[sflag:s11] =	ssyncset.done $0x0  }
0x25: {  	[sflag:s11] =	ssyncadd.s32 $0xFFFFFF00  }
0x26: {  	[tilespmem:s13], [sflag:$0x1] =	stream.indirect.gather [hbm4b:s4+s12], $0x80, s3, s12, $0xb8;
	[tilespmem:$0x16900] =	vst v63  }
0x27: {  	_ =	swait.ge [sflag:s11], $0x2800  }
.Ltmp0:
0x28: {  	[sflag:s11] =	ssyncset.done $0x0;
	(pc) =	sbr.rel @p0 .LBB2_2-.Ltmp0, $4  }
0x29: {  	[sflag:s11] =	ssyncadd.s32 $0xFFFFD800  }
0x2a: {  	[spmem:s2] =	stream.indirect.scatter.add.f32 [tilespmem:s13], [sflag:$0x1], $0x80, s14, s12, $0xb8;
	[tilespmem:$0x16900] =	vst v63  }
0x2b: {  	_ =	swait.ge [sflag:s11], $0x2800  }
0x2c: {  	s17 =	smov.u32 s19;
	[sflag:s11] =	ssyncset.done $0x0  }
0x2d: {  	s16 =	sadd.s32 s16, s9;
	[sflag:s11] =	ssyncadd.s32 $0xFFFFD800  }
0x2e: {  	[tilespmem:s3], [sflag:$0x1] =	stream.linear.gather [hbm4b:s16+s3], $0x100, $0x38;
	[tilespmem:$0x16900] =	vst v63  }
0x2f: {  	_ =	swait.ge [sflag:s11], $0x100  }
0x30: {  	[sflag:s11] =	ssyncset.done $0x0  }
0x31: {  	[sflag:s11] =	ssyncadd.s32 $0xFFFFFF00  }
0x32: {  	[tilespmem:s13], [sflag:$0x1] =	stream.indirect.gather [hbm4b:s4+s12], $0x80, s3, s12, $0xb8;
	[tilespmem:$0x16900] =	vst v63  }
0x33: {  	_ =	swait.ge [sflag:s11], $0x2800  }
0x34: {  	[sflag:s11] =	ssyncset.done $0x0  }
0x35: {  	[sflag:s11] =	ssyncadd.s32 $0xFFFFD800  }
0x36: {  	[spmem:s2] =	stream.indirect.scatter.add.f32 [tilespmem:s13], [sflag:$0x1], $0x80, s14, s12, $0xb8;
	[tilespmem:$0x16900] =	vst v63  }
0x37: {  	_ =	swait.ge [sflag:s11], $0x2800  }
0x38: {  	s15 =	sadd.s32 $0x1, s15;
	[sflag:s11] =	ssyncset.done $0x0  }
0x39: {  	p0 =	sne.s32 s15, s8;
	[sflag:s11] =	ssyncadd.s32 $0xFFFFD800  }
.Ltmp1:
0x3a: {  	[bflag:$0x0] =	sbarrier.arrive $0xFFFF;
	(pc) =	sbr.rel @p0 .LBB2_1-.Ltmp1, $4  }
0x3b: {  	[hbm:s7], [sflag:s6] =	dma.local [spmem:s10], $0x2800  }
0x3c: {  	_ =	swait.ge [sflag:s11], $0x2800  }
0x3d: {  	[sflag:s11] =	ssyncset.done $0x0  }
0x3e: {  	[sflag:s11] =	ssyncadd.s32 $0xFFFFD800  }
0x3f: {  	_ =	sfence.sel $0x180000  }
0x40: {  	[bflag:$0x0] =	sbarrier.arrive $0xFFFF  }
0x41: {  	p0 =	sne.s32 s1, $0x0;
	_ =	strace $0x9000004A  }
0x42: {  	s0 =	sadd.s32 @!p0 $0x100000, s0;
	[bflag:$0x2] =	sbarrier.arrive $0xFFFF  }
0x43: {  	[sflag:s0] =	ssyncadd.tile.s32 @!p0 $0x1;
	_ =	shalt  }
.Lfunc_end2:
_tile_overlayer_lowered:
.L_overlay_start_2:
0x44: {  	(tag) =	ssettag $0x2  }
0x45: {  	s0 =	rddreg [dreg:$0x0];
	s2 =	stileid.u32  }
0x46: {  	s1 =	rddreg [dreg:$0x1];
	p0 =	sne.s32 s2, $0x0  }
0x47: {  	s3 =	rddreg [dreg:$0x2];
	[bflag:$0x3] =	sbarrier.arrive $0xFFFF;
	s2 =	simm.s32 @!p0 $0x1C01  }
0x48: {  	[timem:s3], [sflag:s2] =	dma.local @!p0 [hbm:s0], s1  }
0x49: {  	s0 =	simm.s32 @!p0 $0x1  }
0x4a: {  	_ =	swait.ge @!p0 [sflag:s0], s1  }
0x4b: {  	s1 =	ssub.s32 @!p0 $0x0, s1;
	[sflag:s0] =	ssyncset.done @!p0 $0x0  }
0x4c: {  	[sflag:s0] =	ssyncadd.s32 @!p0 s1  }
0x4d: {  	[bflag:$0x3] =	sbarrier.arrive $0xFFFF  }
0x4e: {  	_ =	shalt  }

// kernel: kernel.16.cloned.1.call-start
scs
__scs_entry_jumppad:
0x0: {  	(pc) =	sbr.rel $0x88, $3  }
0x1: {  	(tag) =	ssettag $0x0;
	lr =	simm.s32 $0x1  }
0x2: {  	[smem:$0x3F9B] =	sst lr;
	_ =	strace $0xD0000000  }
0x3: {  	_ = 	snop  }
0x4: {  	_ = 	snop  }
0x5: {  	_ = 	snop  }
0x6: {  	_ = 	snop  }
0x7: {  	_ = 	snop  }
__scs_overlays_trampoline_lowered:
0x8: {  	[smem:$0x3FAA] =	sst s0  }
0x9: {  	[smem:$0x3FAB] =	sst s1  }
0xa: {  	[smem:$0x3FAC] =	sst s2  }
0xb: {  	[smem:$0x3FAD] =	sst s3  }
0xc: {  	[smem:$0x3FAE] =	sst s4  }
0xd: {  	[smem:$0x3FAF] =	sst s5  }
0xe: {  	[smem:$0x3FB0] =	sst s6  }
0xf: {  	[smem:$0x3FB1] =	sst s7  }
0x10: {  	[smem:$0x3FB2] =	sst s8  }
0x11: {  	[smem:$0x3FB3] =	sst s9;
	s0 =	simm.s32 @!p0 $0x0  }
0x12: {  	s1 =	sld [smem:$0x3F99];
	s0 =	simm.s32 @p0 $0x1  }
0x13: {  	[smem:$0x3FB4] =	sst s0;
	s0 =	simm.s32 @!p1 $0x0  }
0x14: {  	s2 =	sld [smem:$0x3F98];
	s0 =	simm.s32 @p1 $0x1  }
0x15: {  	[smem:$0x3FB5] =	sst s0;
	s0 =	simm.s32 @!p2 $0x0  }
0x16: {  	s3 =	sld [smem:$0x3FDB];
	s0 =	simm.s32 @p2 $0x1  }
0x17: {  	s4 =	simm.s32 $0x1BF5;
	[smem:$0x3FB7] =	sst s0  }
0x18: {  	s0 =	sld [smem:$0x3F9A];
	_ =	swait.ge [sflag:s4], $0x0  }
0x19: {  	s7 =	sld [smem:$0x3F9B]  }
0x1a: {  	s8 =	sadd.s32 $0xFFFFE003, lr  }
0x1b: {  	s9 =	sadd.s32 $0xFFFFFEF7, lr;
	s5 =	simm.s32 $0xFFFFFFFF;
	p2 =	slt.u32 s8, $0xFFFFF086  }
0x1c: {  	p1 =	slt.u32 s9, $0xF7A;
	s5 =	simm.s32 @!p2 $0x0  }
0x1d: {  	s5 =	simm.s32 @p1 $0x1;
	p0 =	seq.s32 s7, s2  }
0x1e: {  	s7 =	smul.u32 @!p0 $0xF7A, s2;
	p2 =	seq.s32 @!p0 s5, $0x0  }
0x1f: {  	s9 =	smul.u32 $0xF7A, s1;
	s8 =	simm.s32 @!p0 $0x1BF5;
	p2 =	por !p2, p0  }
0x20: {  	[sflag:s8] =	ssyncset.s32 @!p0 $0xFFFFF086;
	s6 =	sadd.s32 @!p0 s3, s7;
	s7 =	simm.s32 @!p0 $0x108  }
0x21: {  	s3 =	sadd.s32 s3, s9;
	s6 =	sadd.s32 @!p0 $0x88, s6;
	s7 =	simm.s32 @p2 $0x1082  }
0x22: {  	[simem:s7], [sflag:s8] =	dma.local @!p0 [hbm:s6], $0xF7A  }
0x23: {  	s9 =	sor.u32 $0xD0000000, s2;
	s6 =	simm.s32 $0x108;
	_ =	swait.ge @!p0 [sflag:s8], $0x0  }
0x24: {  	s3 =	sadd.s32 $0x88, s3;
	s6 =	simm.s32 @!p1 $0x1082;
	[sflag:s4] =	ssyncset.s32 $0xFFFFF086  }
0x25: {  	[simem:s6], [sflag:s4] =	dma.local [hbm:s3], $0xF7A  }
0x26: {  	[smem:$0x3F9B] =	sst s1;
	(tag) =	ssettag s2;
	_ =	strace s9  }
0x27: {  	s1 =	sld [smem:$0x3FAB]  }
0x28: {  	s2 =	sld [smem:$0x3FAC]  }
0x29: {  	s4 =	sld [smem:$0x3FAE]  }
0x2a: {  	p0 =	seq.s32 s5, $0x0;
	s5 =	sld [smem:$0x3FAF]  }
0x2b: {  	s6 =	sld [smem:$0x3FB0]  }
0x2c: {  	s7 =	sld [smem:$0x3FB1]  }
0x2d: {  	s3 =	simm.s32 $0x108;
	s8 =	sld [smem:$0x3FB2]  }
0x2e: {  	s3 =	simm.s32 @!p0 $0x1082;
	s9 =	sld [smem:$0x3FB3]  }
0x2f: {  	lr =	sadd.s32 s0, s3;
	s0 =	sld [smem:$0x3FAA]  }
0x30: {  	s3 =	sld [smem:$0x3FAD]  }
0x31: {  	[smem:$0x3FB6] =	sst s10  }
0x32: {  	s10 =	sld [smem:$0x3FB4];
	_ =	sdelay $0x3  }
0x33: {  	p0 =	seq.s32 s10, $0x1;
	s10 =	sld [smem:$0x3FB6];
	_ =	sdelay $0x3  }
0x34: {  	[smem:$0x3FB6] =	sst s10  }
0x35: {  	s10 =	sld [smem:$0x3FB5];
	_ =	sdelay $0x3  }
0x36: {  	p1 =	seq.s32 s10, $0x1;
	s10 =	sld [smem:$0x3FB6];
	_ =	sdelay $0x3  }
0x37: {  	[smem:$0x3FB6] =	sst s10  }
0x38: {  	s10 =	sld [smem:$0x3FB7]  }
0x39: {  	_ = 	snop;
	(pc) =	sbr.ind lr, $3  }
0x3a: {  	_ = 	snop  }
0x3b: {  	_ = 	snop  }
0x3c: {  	p2 =	seq.s32 s10, $0x1;
	s10 =	sld [smem:$0x3FB6]  }
0x3d: {  	_ =	shalt  }
0x3e: {  	_ =	shalt  }
0x3f: {  	_ =	shalt  }
0x40: {  	_ =	shalt  }
0x41: {  	_ =	shalt  }
0x42: {  	_ =	shalt  }
0x43: {  	_ =	shalt  }
0x44: {  	_ =	shalt  }
0x45: {  	_ =	shalt  }
0x46: {  	_ =	shalt  }
0x47: {  	_ =	shalt  }
0x48: {  	_ =	shalt  }
0x49: {  	_ =	shalt  }
0x4a: {  	_ =	shalt  }
0x4b: {  	_ =	shalt  }
0x4c: {  	_ =	shalt  }
0x4d: {  	_ =	shalt  }
0x4e: {  	_ =	shalt  }
0x4f: {  	_ =	shalt  }
0x50: {  	_ =	shalt  }
0x51: {  	_ =	shalt  }
0x52: {  	_ =	shalt  }
0x53: {  	_ =	shalt  }
0x54: {  	_ =	shalt  }
0x55: {  	_ =	shalt  }
0x56: {  	_ =	shalt  }
0x57: {  	_ =	shalt  }
0x58: {  	_ =	shalt  }
0x59: {  	_ =	shalt  }
0x5a: {  	_ =	shalt  }
0x5b: {  	_ =	shalt  }
0x5c: {  	_ =	shalt  }
0x5d: {  	_ =	shalt  }
0x5e: {  	_ =	shalt  }
0x5f: {  	_ =	shalt  }
0x60: {  	_ =	shalt  }
0x61: {  	_ =	shalt  }
0x62: {  	_ =	shalt  }
0x63: {  	_ =	shalt  }
0x64: {  	_ =	shalt  }
0x65: {  	_ =	shalt  }
0x66: {  	_ =	shalt  }
0x67: {  	_ =	shalt  }
0x68: {  	_ =	shalt  }
0x69: {  	_ =	shalt  }
0x6a: {  	_ =	shalt  }
0x6b: {  	_ =	shalt  }
0x6c: {  	_ =	shalt  }
0x6d: {  	_ =	shalt  }
0x6e: {  	_ =	shalt  }
0x6f: {  	_ =	shalt  }
0x70: {  	_ =	shalt  }
0x71: {  	_ =	shalt  }
0x72: {  	_ =	shalt  }
0x73: {  	_ =	shalt  }
0x74: {  	_ =	shalt  }
0x75: {  	_ =	shalt  }
0x76: {  	_ =	shalt  }
0x77: {  	_ =	shalt  }
0x78: {  	_ =	shalt  }
0x79: {  	_ =	shalt  }
0x7a: {  	_ =	shalt  }
0x7b: {  	_ =	shalt  }
0x7c: {  	_ =	shalt  }
0x7d: {  	_ =	shalt  }
0x7e: {  	_ =	shalt  }
0x7f: {  	_ =	shalt  }
0x80: {  	_ =	shalt  }
0x81: {  	_ =	shalt  }
0x82: {  	_ =	shalt  }
0x83: {  	_ =	shalt  }
0x84: {  	_ =	shalt  }
0x85: {  	_ =	shalt  }
0x86: {  	_ =	shalt  }
0x87: {  	_ =	shalt  }
.Lfunc_end0:
.L_simem_size_0:
called_computation.2_lowered:
.L_overlay_start_0:
0x88: {  	s2 =	sld [smem:$0x3FD9]  }
0x89: {  	s3 =	sld [smem:$0x3FFE];
	_ =	sdelay $0x1  }
0x8a: {  	s1 =	srdreg.scid  }
0x8b: {  	s0 =	sand.u32 $0x1, s1  }
0x8c: {  	s17 =	sshll.u32 s0, $0xA;
	s2 =	sadd.s32 s3, s2  }
0x8d: {  	s2 =	sadd.s32 s2, s17  }
0x8e: {  	[smem:$0x3FC2] =	sst s2  }
0x8f: {  	_ = 	snop  }
0x90: {  	s2 =	sld [smem:$0x3FD0];
	(tm) =	ssettm $0x1  }
0x91: {  	s18 =	sld [smem:$0x3FFB];
	_ =	sdelay $0x3  }
0x92: {  	_ =	strace s18  }
0x93: {  	s3 =	sld [smem:$0x3FFC];
	_ =	sdelay $0x3  }
0x94: {  	_ =	strace s3  }
0x95: {  	s3 =	sld [smem:$0x3FFD];
	_ =	sdelay $0x3  }
0x96: {  	_ =	strace s3  }
0x97: {  	_ =	strace $0x8FFFFFFF  }
0x98: {  	s19 =	sld [smem:$0x3FDB];
	_ =	sdelay $0x1  }
0x99: {  	s4 =	simm.s32 $_scs_section_size  }
0x9a: {  	s5 =	simm.s32 $_size__tile_overlayer_lowered;
	s6 =	simm.s32 $_tile_overlayer_lowered  }
0x9b: {  	s22 =	simm.s32 $0x1BFF;
	s21 =	sshll.u32 s6, $0x1;
	s3 =	sadd.s32 s4, s19  }
0x9c: {  	s7 =	simm.s32 $0x0;
	s20 =	sshll.u32 s5, $0x1;
	s5 =	sadd.s32 s21, s3  }
0x9d: {  	[timem:s7], [sflag:s22] =	dma.local [hbm:s5], s20  }
0x9e: {  	_ =	swait.ge [sflag:s22], s20  }
0x9f: {  	s4 =	ssub.s32 $0x0, s20;
	[sflag:s22] =	ssyncset.done $0x0  }
0xa0: {  	[sflag:s22] =	ssyncadd.s32 s4;
	_ =	sdelay $0x1  }
0xa1: {  	s23 =	simm.s32 $0x1B8B  }
0xa2: {  	_ =	swait.ge [sflag:s23], $0x1  }
0xa3: {  	[sflag:s23] =	ssyncset.done $0x0  }
0xa4: {  	s25 =	simm.s32 $0x1B8E;
	s24 =	sld [smem:$0x3FFE];
	[sflag:s23] =	ssyncadd.s32 $0xFFFFFFFF  }
0xa5: {  	s26 =	simm.s32 $execute0_lowered;
	[smem:$0x3FD2] =	sst s25  }
0xa6: {  	s5 =	sshll.u32 s26, $0x1;
	_ =	strace $0x8000004C;
	[dreg:$0x1] =	wrdreg $0xFFFFFFFF  }
0xa7: {  	s28 =	simm.s32 $_size_execute0_lowered;
	s3 =	sadd.s32 s3, s5;
	[dreg:$0x0] =	wrdreg $0x0  }
0xa8: {  	s5 =	sshll.u32 s28, $0x1;
	[dreg:$0x2] =	wrdreg s3  }
0xa9: {  	[dreg:$0x3] =	wrdreg s5  }
0xaa: {  	[dreg:$0x4] =	wrdreg $0xC0  }
0xab: {  	_ =	task [dreg:s7], $0x5FFFF  }
0xac: {  	[dreg:$0x1] =	wrdreg $0xFFFFFFFF  }
0xad: {  	[dreg:$0x0] =	wrdreg $0x60  }
0xae: {  	[dreg:$0x2] =	wrdreg s24  }
0xaf: {  	[dreg:$0x3] =	wrdreg s2  }
0xb0: {  	[dreg:$0x4] =	wrdreg $0x29000  }
0xb1: {  	[dreg:$0x5] =	wrdreg $0x9  }
0xb2: {  	_ =	task.clear_ibuf [dreg:s7], $0x6FFFF;
	_ =	strace $0x9000004C  }
0xb3: {  	s29 =	simm.s32 $0x9;
	_ =	strace $0x8000004E  }
0xb4: {  	_ =	swait.ge [sflag:s29], $0x1  }
0xb5: {  	[sflag:s29] =	ssyncadd.s32 $0xFFFFFFFF  }
0xb6: {  	_ =	strace $0x9000004E  }
0xb7: {  	_ =	sfence  }
0xb8: {  	s30 =	sld [smem:$0x0];
	_ =	sdelay $0x2  }
0xb9: {  	s31 =	sshll.u32 s1, $0xD;
	s1 =	sshrl.u32 s1, $0x2  }
0xba: {  	s3 =	sand.u32 $0x4000, s31;
	s1 =	sadd.s32 s1, s30  }
0xbb: {  	s0 =	sor.u32 s3, s0;
	s1 =	sshll.u32 s1, $0x11  }
0xbc: {  	s0 =	sor.u32 s1, s0  }
0xbd: {  	s0 =	sadd.s32 $0x8F2B, s0  }
0xbe: {  	[sflag:s0] =	ssyncadd.remote.s32 $0x1  }
0xbf: {  	_ =	sfence.sel $0xFFFF  }
0xc0: {  	[dreg:$0x0] =	wrdreg $0xFFFFFFFF;
	(pc) =	sbr.abs _section_cstart, $3  }
0xc1: {  	[dreg:$0x1] =	wrdreg $0xFFFFFFFF  }
0xc2: {  	_ =	task.clear_ibuf [dreg:s7], $0x2FFFF;
	_ =	strace $0x9FFFFFFF  }
0xc3: {  	(tm) =	ssettm $0x7FFFFFFF  }
tec
execute0_lowered:
.L_overlay_start_1:
0x0: {  	(tag) =	ssettag $0x1  }
0x1: {  	s5 =	rddreg [dreg:$0x0]  }
0x2: {  	s7 =	rddreg [dreg:$0x1]  }
0x3: {  	s2 =	rddreg [dreg:$0x2]  }
0x4: {  	s0 =	rddreg [dreg:$0x3]  }
0x5: {  	s4 =	srdreg.scid;
	s1 =	stileid.u32  }
0x6: {  	s3 =	simm.s32 $0x0;
	s14 =	simm.s32 $0x80;
	s8 =	smul.u32 $0x2800, s1  }
0x7: {  	s15 =	simm.s32 $0x0;
	s6 =	sand.u32 $0x1, s4;
	s11 =	smul.u32 $0x50000, s1  }
0x8: {  	[smem:$0x7FF] =	sst s3;
	s31 =	sshll.u32 s1, $0x6;
	s13 =	smul.u32 $0xFA0, s1  }
0x9: {  	s4 =	smul.u32 $0x28000, s6;
	_ =	strace $0x8000004D;
	s10 =	ssub.s32 $0x2, s6  }
0xa: {  	s30 =	smul.u32 $0xFA00, s6;
	s6 =	sor.u32 $0x1C01, s31;
	s28 =	sshrl.u32 s10, $0x1  }
0xb: {  	s29 =	sshrl.u32 s11, $0x2;
	s9 =	sadd.s32 s8, s4;
	s4 =	sadd.s32 $0x1C00, s5  }
0xc: {  	s10 =	ssub.s32 s10, s28;
	s12 =	sadd.s32 s29, s2;
	s11 =	sadd.s32 s30, s7  }
0xd: {  	s9 =	sadd.s32 s9, s5;
	s5 =	sadd.s32 s4, s8;
	s8 =	smax.u32 s10, $0x1  }
0xe: {  	s10 =	sshrl.u32 s12, $0x3;
	s12 =	simm.s32 $0x50;
	s7 =	sadd.s32 $0x29C00, s9  }
0xf: {  	s9 =	sadd.s32 s13, s11;
	s11 =	simm.s32 $0x1;
	s13 =	simm.s32 $0x100  }
.LBB2_1:
0x10: {  	[spmem:s10], [sflag:s6] =	dma.local [hbm:s5], $0x2800  }
0x11: {  	_ =	swait.ge [sflag:s11], $0x2800  }
0x12: {  	[sflag:s11] =	ssyncset.done $0x0  }
0x13: {  	[sflag:s11] =	ssyncadd.s32 $0xFFFFD800  }
0x14: {  	s16 =	sadd.s32 $0x0, s9;
	[bflag:$0x0] =	sbarrier.arrive $0xFFFF  }
0x15: {  	[tilespmem:s3], [sflag:$0x1] =	stream.linear.gather [hbm4b:s16+s3], $0x100, $0x38;
	[tilespmem:$0x16900] =	vst v63  }
0x16: {  	_ =	swait.ge [sflag:s11], $0x100  }
0x17: {  	[sflag:s11] =	ssyncset.done $0x0  }
0x18: {  	[sflag:s11] =	ssyncadd.s32 $0xFFFFFF00  }
0x19: {  	[tilespmem:s13], [sflag:$0x1] =	stream.indirect.gather [hbm4b:s4+s12], $0x80, s3, s12, $0xb8;
	[tilespmem:$0x16900] =	vst v63  }
0x1a: {  	_ =	swait.ge [sflag:s11], $0x2800  }
0x1b: {  	[sflag:s11] =	ssyncset.done $0x0  }
0x1c: {  	[sflag:s11] =	ssyncadd.s32 $0xFFFFD800  }
0x1d: {  	[spmem:s2] =	stream.indirect.scatter.add.f32 [tilespmem:s13], [sflag:$0x1], $0x80, s14, s12, $0xb8;
	[tilespmem:$0x16900] =	vst v63  }
0x1e: {  	_ =	swait.ge [sflag:s11], $0x2800  }
0x1f: {  	s17 =	simm.s32 $0x40;
	s16 =	simm.s32 $0x20;
	[sflag:s11] =	ssyncset.done $0x0  }
.LBB2_2:
0x20: {  	s18 =	sadd.s32 s16, s9  }
0x21: {  	[sflag:s11] =	ssyncadd.s32 $0xFFFFD800;
	s16 =	smov.u32 s17;
	s19 =	sadd.s32 $0x20, s17  }
0x22: {  	[tilespmem:s3], [sflag:$0x1] =	stream.linear.gather [hbm4b:s18+s3], $0x100, $0x38;
	[tilespmem:$0x16900] =	vst v63  }
0x23: {  	p0 =	sne.s32 s17, $0xF80;
	_ =	swait.ge [sflag:s11], $0x100  }
0x24: {  	[sflag:s11] =	ssyncset.done $0x0  }
0x25: {  	[sflag:s11] =	ssyncadd.s32 $0xFFFFFF00  }
0x26: {  	[tilespmem:s13], [sflag:$0x1] =	stream.indirect.gather [hbm4b:s4+s12], $0x80, s3, s12, $0xb8;
	[tilespmem:$0x16900] =	vst v63  }
0x27: {  	_ =	swait.ge [sflag:s11], $0x2800  }
.Ltmp0:
0x28: {  	[sflag:s11] =	ssyncset.done $0x0;
	(pc) =	sbr.rel @p0 .LBB2_2-.Ltmp0, $4  }
0x29: {  	[sflag:s11] =	ssyncadd.s32 $0xFFFFD800  }
0x2a: {  	[spmem:s2] =	stream.indirect.scatter.add.f32 [tilespmem:s13], [sflag:$0x1], $0x80, s14, s12, $0xb8;
	[tilespmem:$0x16900] =	vst v63  }
0x2b: {  	_ =	swait.ge [sflag:s11], $0x2800  }
0x2c: {  	s17 =	smov.u32 s19;
	[sflag:s11] =	ssyncset.done $0x0  }
0x2d: {  	s16 =	sadd.s32 s16, s9;
	[sflag:s11] =	ssyncadd.s32 $0xFFFFD800  }
0x2e: {  	[tilespmem:s3], [sflag:$0x1] =	stream.linear.gather [hbm4b:s16+s3], $0x100, $0x38;
	[tilespmem:$0x16900] =	vst v63  }
0x2f: {  	_ =	swait.ge [sflag:s11], $0x100  }
0x30: {  	[sflag:s11] =	ssyncset.done $0x0  }
0x31: {  	[sflag:s11] =	ssyncadd.s32 $0xFFFFFF00  }
0x32: {  	[tilespmem:s13], [sflag:$0x1] =	stream.indirect.gather [hbm4b:s4+s12], $0x80, s3, s12, $0xb8;
	[tilespmem:$0x16900] =	vst v63  }
0x33: {  	_ =	swait.ge [sflag:s11], $0x2800  }
0x34: {  	[sflag:s11] =	ssyncset.done $0x0  }
0x35: {  	[sflag:s11] =	ssyncadd.s32 $0xFFFFD800  }
0x36: {  	[spmem:s2] =	stream.indirect.scatter.add.f32 [tilespmem:s13], [sflag:$0x1], $0x80, s14, s12, $0xb8;
	[tilespmem:$0x16900] =	vst v63  }
0x37: {  	_ =	swait.ge [sflag:s11], $0x2800  }
0x38: {  	s15 =	sadd.s32 $0x1, s15;
	[sflag:s11] =	ssyncset.done $0x0  }
0x39: {  	p0 =	sne.s32 s15, s8;
	[sflag:s11] =	ssyncadd.s32 $0xFFFFD800  }
.Ltmp1:
0x3a: {  	[bflag:$0x0] =	sbarrier.arrive $0xFFFF;
	(pc) =	sbr.rel @p0 .LBB2_1-.Ltmp1, $4  }
0x3b: {  	[hbm:s7], [sflag:s6] =	dma.local [spmem:s10], $0x2800  }
0x3c: {  	_ =	swait.ge [sflag:s11], $0x2800  }
0x3d: {  	[sflag:s11] =	ssyncset.done $0x0  }
0x3e: {  	[sflag:s11] =	ssyncadd.s32 $0xFFFFD800  }
0x3f: {  	_ =	sfence.sel $0x180000  }
0x40: {  	[bflag:$0x0] =	sbarrier.arrive $0xFFFF  }
0x41: {  	p0 =	sne.s32 s1, $0x0;
	_ =	strace $0x9000004D  }
0x42: {  	s0 =	sadd.s32 @!p0 $0x100000, s0;
	[bflag:$0x2] =	sbarrier.arrive $0xFFFF  }
0x43: {  	[sflag:s0] =	ssyncadd.tile.s32 @!p0 $0x1;
	_ =	shalt  }
.Lfunc_end2:
_tile_overlayer_lowered:
.L_overlay_start_2:
0x44: {  	(tag) =	ssettag $0x2  }
0x45: {  	s0 =	rddreg [dreg:$0x0];
	s2 =	stileid.u32  }
0x46: {  	s1 =	rddreg [dreg:$0x1];
	p0 =	sne.s32 s2, $0x0  }
0x47: {  	s3 =	rddreg [dreg:$0x2];
	[bflag:$0x3] =	sbarrier.arrive $0xFFFF;
	s2 =	simm.s32 @!p0 $0x1C01  }
0x48: {  	[timem:s3], [sflag:s2] =	dma.local @!p0 [hbm:s0], s1  }
0x49: {  	s0 =	simm.s32 @!p0 $0x1  }
0x4a: {  	_ =	swait.ge @!p0 [sflag:s0], s1  }
0x4b: {  	s1 =	ssub.s32 @!p0 $0x0, s1;
	[sflag:s0] =	ssyncset.done @!p0 $0x0  }
0x4c: {  	[sflag:s0] =	ssyncadd.s32 @!p0 s1  }
0x4d: {  	[bflag:$0x3] =	sbarrier.arrive $0xFFFF  }
0x4e: {  	_ =	shalt  }

</sc_bundles>
